<compile_context>
chip_gen: v7x
topology: tpu7x:2x2x1
jax: 0.10.2.dev20260603
libtpu: 0.0.44.dev20260713+nightly
codegen_flags: <defaults>
</compile_context>

<pallas_src>
import functools

import jax
import jax.numpy as jnp
from jax import lax
from jax.experimental import pallas as pl
from jax.experimental.pallas import tpu as pltpu
from jax.experimental.pallas import tpu_sc as plsc

_K = 8


def _topk_body(gp_ref, mv_ref, m2_ref, idx_ref, w_ref):
    gp = gp_ref[...]
    gx, gy, gz = gp[:, 0:1], gp[:, 1:2], gp[:, 2:3]
    a2 = gx * gx + gy * gy + gz * gz
    dot = jax.lax.dot_general(
        gp.astype(jnp.bfloat16), mv_ref[...].astype(jnp.bfloat16),
        (((1,), (0,)), ((), ())),
        preferred_element_type=jnp.float32)
    sq = a2 + m2_ref[...] - 2.0 * dot
    d = jnp.sqrt(jnp.maximum(sq, 0.0) + 1e-12)

    br, np_ = d.shape
    col = jax.lax.broadcasted_iota(jnp.int32, (br, np_), 1)
    sumexp = jnp.zeros((br, 1), jnp.float32)
    d0 = jnp.zeros((br, 1), jnp.float32)
    evals = []
    for t in range(_K):
        dmin = jnp.min(d, axis=1, keepdims=True)
        idxc = jnp.where(d == dmin, col, jnp.int32(2 ** 30))
        amin = jnp.min(idxc, axis=1)
        if t == 0:
            d0 = dmin
        e = jnp.exp(d0 - dmin)
        sumexp = sumexp + e
        evals.append(e)
        idx_ref[:, t] = amin
        if t < _K - 1:
            mask = col == amin[:, None]
            d = jnp.where(mask, jnp.float32(3.0e38), d)
    inv = 1.0 / sumexp
    w_ref[...] = jnp.concatenate(evals, axis=1) * inv


def _proj_body(x_ref, wt_ref, bb_ref, out_ref):
    out_ref[...] = jax.lax.dot_general(
        x_ref[...].astype(jnp.bfloat16), wt_ref[...].astype(jnp.bfloat16),
        (((1,), (0,)), ((), ())),
        preferred_element_type=jnp.float32) + bb_ref[...]


def _round_up(x, m):
    return (x + m - 1) // m * m


def _make_sc_combine(total, n_rows, C, pairs_per_w, P, NC):
    mesh = plsc.VectorSubcoreMesh(core_axis_name="c", subcore_axis_name="s")

    @functools.partial(
        pl.kernel, mesh=mesh,
        out_type=jax.ShapeDtypeStruct((total, C), jnp.float32),
        scratch_types=[
            pltpu.VMEM((P * _K,), jnp.int32),
            pltpu.VMEM((P * _K, 128), jnp.float32),
            pltpu.VMEM((P, _K, 16), jnp.float32),
            pltpu.VMEM((P, C), jnp.float32),
            pltpu.SemaphoreType.DMA,
        ],
    )
    def sc_combine(mesh_hbm, idx_hbm, w_hbm, out_hbm, idx_v, rows_v, w_v,
                   out_v, sem):
        wid = lax.axis_index("s") * NC + lax.axis_index("c")
        base = wid * pairs_per_w

        def chunk_body(ci, carry):
            start = base + ci * P
            pltpu.sync_copy(idx_hbm.at[pl.ds(start * _K, P * _K)], idx_v)
            gather = pltpu.async_copy(mesh_hbm.at[idx_v], rows_v, sem)
            pltpu.sync_copy(w_hbm.at[pl.ds(start, P)], w_v)
            gather.wait()

            def pt_body(p, c2):
                accs = [jnp.zeros((16,), jnp.float32) for _ in range(C // 16)]
                for k in range(_K):
                    wk = w_v[p, k, :]
                    for c4 in range(C // 16):
                        accs[c4] = accs[c4] + wk * rows_v[p * _K + k,
                                                          pl.ds(c4 * 16, 16)]
                for c4 in range(C // 16):
                    out_v[p, pl.ds(c4 * 16, 16)] = accs[c4]
                return c2

            lax.fori_loop(0, P, pt_body, 0)
            pltpu.sync_copy(out_v, out_hbm.at[pl.ds(start, P)])
            return carry

        lax.fori_loop(0, pairs_per_w // P, chunk_body, 0)

    return sc_combine


@jax.jit
def kernel(mesh_output, mesh_vertices, lat, lon, W, b):
    B, n_mesh, C = mesh_output.shape
    n_lat, n_lon = lat.shape[0], lon.shape[0]
    G = n_lat * n_lon
    BR = 256
    GP = _round_up(G, BR)
    NP = _round_up(n_mesh, 128)

    cl, sl = jnp.cos(lat), jnp.sin(lat)
    clo, slo = jnp.cos(lon), jnp.sin(lon)
    x = cl[:, None] * clo[None, :]
    y = cl[:, None] * slo[None, :]
    z = jnp.broadcast_to(sl[:, None], (n_lat, n_lon))
    gp = jnp.stack([x, y, z], axis=-1).reshape(G, 3)
    gp = jnp.pad(gp, ((0, GP - G), (0, 8 - 3)))

    mv = jnp.pad(mesh_vertices, ((0, NP - n_mesh), (0, 8 - 3))).T
    m2 = jnp.sum(mesh_vertices * mesh_vertices, axis=1)
    m2 = jnp.pad(m2, (0, NP - n_mesh), constant_values=1.0e6)[None, :]

    knn_idx, w = pl.pallas_call(
        _topk_body,
        grid=(GP // BR,),
        in_specs=[
            pl.BlockSpec((BR, 8), lambda i: (i, 0)),
            pl.BlockSpec((8, NP), lambda i: (0, 0)),
            pl.BlockSpec((1, NP), lambda i: (0, 0)),
        ],
        out_specs=[
            pl.BlockSpec((BR, _K), lambda i: (i, 0)),
            pl.BlockSpec((BR, _K), lambda i: (i, 0)),
        ],
        out_shape=[
            jax.ShapeDtypeStruct((GP, _K), jnp.int32),
            jax.ShapeDtypeStruct((GP, _K), jnp.float32),
        ],
    )(gp, mv, m2)

    total = B * GP
    mesh_flat = jnp.pad(mesh_output,
                        ((0, 0), (0, NP - n_mesh),
                         (0, 128 - C))).reshape(B * NP, 128)
    idx_flat = (knn_idx[None, :, :]
                + (jnp.arange(B, dtype=jnp.int32) * NP)[:, None, None]
                ).reshape(total * _K)
    w_rep = jnp.broadcast_to(w[None, :, :, None],
                             (B, GP, _K, 16)).reshape(total, _K, 16)

    info = plsc.get_sparse_core_info()
    NW = info.num_cores * info.num_subcores
    pairs_per_w = total // NW
    P = 16
    comb = _make_sc_combine(total, B * NP, C, pairs_per_w, P,
                            info.num_cores)(mesh_flat, idx_flat, w_rep)

    out = pl.pallas_call(
        _proj_body,
        grid=(total // 512,),
        in_specs=[
            pl.BlockSpec((512, C), lambda i: (i, 0)),
            pl.BlockSpec((C, C), lambda i: (0, 0)),
            pl.BlockSpec((1, C), lambda i: (0, 0)),
        ],
        out_specs=pl.BlockSpec((512, C), lambda i: (i, 0)),
        out_shape=jax.ShapeDtypeStruct((total, C), jnp.float32),
    )(comb, W.T, b[None, :])

    out = out.reshape(B, GP, C)[:, :G].reshape(B, n_lat, n_lon, C)
    return jnp.transpose(out, (0, 3, 1, 2))

# --- scband reference (transcript-rebuilt; emitter-appended) ---
"""Pipeline reference for scband-gaia-model-67817533604060 (READ-ONLY COPY).

The authoritative reference and input builder live on the scoring server;
editing this copy changes nothing except your own understanding.
"""

import jax, jax.numpy as jnp
import numpy as np

B = 2
N_MESH = 10242
N_LAT = 91
N_LON = 180
C = 64
K = 8


def setup_inputs(seed: int = 0) -> dict:
    key = jax.random.key(seed)
    k1, k2, k3, k4, k5, k6 = jax.random.split(key, 6)
    mesh_output = jax.random.normal(k1, (B, N_MESH, C), dtype=jnp.float32)
    mv = jax.random.normal(k2, (N_MESH, 3), dtype=jnp.float32)
    mesh_vertices = mv / (jnp.linalg.norm(mv, axis=-1, keepdims=True) + 1e-8)
    lat = jnp.sort(jax.random.uniform(k3, (N_LAT,), dtype=jnp.float32, minval=-np.pi / 2, maxval=np.pi / 2))
    lon = jnp.sort(jax.random.uniform(k4, (N_LON,), dtype=jnp.float32, minval=-np.pi, maxval=np.pi))
    W = jax.random.normal(k5, (C, C), dtype=jnp.float32) * 0.05
    b = jnp.zeros((C,), dtype=jnp.float32)
    return {"mesh_output": mesh_output, "mesh_vertices": mesh_vertices, "lat": lat, "lon": lon, "W": W, "b": b}


def _grid_positions(lat, lon):
    lat_grid, lon_grid = jnp.meshgrid(lat, lon, indexing="ij")
    x = jnp.cos(lat_grid) * jnp.cos(lon_grid)
    y = jnp.cos(lat_grid) * jnp.sin(lon_grid)
    z = jnp.sin(lat_grid)
    return jnp.stack([x, y, z], axis=-1)


def _cdist(a, b):
    # euclidean distance matrix [Ga, Gb]
    a2 = jnp.sum(a * a, axis=-1)[:, None]
    b2 = jnp.sum(b * b, axis=-1)[None, :]
    sq = a2 + b2 - 2.0 * (a @ b.T)
    return jnp.sqrt(jnp.maximum(sq, 0.0) + 1e-12)


def reference(mesh_output, mesh_vertices, lat, lon, W, b):
    # _mesh_to_grid: knn interpolation from mesh to lat/lon grid (3-dim mesh_output branch)
    grid_pos = _grid_positions(lat, lon).reshape(-1, 3)  # [G, 3]
    dist = _cdist(grid_pos, mesh_vertices)  # [G, N_MESH]
    k = min(K, mesh_vertices.shape[0])
    neg_d, knn_idx = jax.lax.top_k(-dist, k)  # smallest distances
    knn_dist = -neg_d
    weights = jax.nn.softmax(-knn_dist, axis=-1)  # [G, k]
    gathered = mesh_output[:, knn_idx]  # [B, G, k, C]
    output = jnp.sum(weights[None, :, :, None] * gathered, axis=2)  # [B, G, C]
    output = output.reshape(mesh_output.shape[0], lat.shape[0], lon.shape[0], C)  # [B, LAT, LON, C]
    # output_proj over channel dim, then back to [B, C, LAT, LON]
    output = output @ W.T + b
    return jnp.transpose(output, (0, 3, 1, 2))

if __name__ == "__main__":
    import jax
    _d = setup_inputs()
    print(jax.jit(kernel)(*tuple(_d.values())))

</pallas_src>

<mosaic_0001>
#map = affine_map<(d0, d1) -> (0, 0)>
#map1 = affine_map<(d0, d1) -> (0)>
#map2 = affine_map<(d0, d1) -> (0, 0, 0)>
module attributes {stable_mosaic.version = 14 : i64} {
  func.func @sc_combine(%arg0: i32, %arg1: i32, %arg2: memref<20736x128xf32, #tpu.memory_space<hbm>>, %arg3: memref<262144xi32, #tpu.memory_space<hbm>>, %arg4: memref<32768x8x16xf32, #tpu.memory_space<hbm>>, %arg5: memref<32768x64xf32, #tpu.memory_space<hbm>>, %arg6: memref<128xi32, #tpu.memory_space<vmem>>, %arg7: memref<128x128xf32, #tpu.memory_space<vmem>>, %arg8: memref<16x8x16xf32, #tpu.memory_space<vmem>>, %arg9: memref<16x64xf32, #tpu.memory_space<vmem>>, %arg10: memref<!tpu.dma_semaphore, #tpu.memory_space<semaphore_mem>>) attributes {dimension_semantics = [#tpu.dimension_semantics<core_parallel>, #tpu.dimension_semantics<subcore_parallel>], iteration_bounds = array<i64: 2, 16>, scalar_prefetch = 0 : i64, scratch_operands = 5 : i64, tpu.core_type = #tpu.core_type<sc_vector_subcore>, window_params = [{transform_indices = #map}, {transform_indices = #map1}, {transform_indices = #map2}, {transform_indices = #map}]} {
    %mul3A = arith.constant 2 : i32
    %mul3A_0 = arith.muli %arg1, %mul3A : i32
    %add3A = arith.addi %mul3A_0, %arg0 : i32
    %mul3A_1 = arith.constant 1024 : i32
    %mul3A_2 = arith.muli %add3A, %mul3A_1 : i32
    %scan3A = arith.constant 0 : i32
    %scan3A_3 = arith.constant 0 : i32
    %scan3A_4 = arith.constant 64 : i32
    %scan3A_5 = arith.addi %scan3A_3, %scan3A_4 : i32
    %scan3A_6 = arith.constant 1 : i32
    scf.for %scan3A_8 = %scan3A_3 to %scan3A_5 step %scan3A_6  : i32 {
      %mul3A_9 = arith.constant 16 : i32
      %mul3A_10 = arith.muli %scan3A_8, %mul3A_9 : i32
      %add3A_11 = arith.addi %mul3A_2, %mul3A_10 : i32
      %mul3A_12 = arith.constant 8 : i32
      %mul3A_13 = arith.muli %add3A_11, %mul3A_12 : i32
      "tpu.region"() ({
        %run_scoped3A = tpu.sem_alloc : memref<!tpu.dma_semaphore, #tpu.memory_space<semaphore_mem>>
        %dma_start3A_24 = tpu.memref_slice %arg3[%mul3A_13] : memref<262144xi32, #tpu.memory_space<hbm>> -> memref<128xi32, #tpu.memory_space<hbm>>
        %dma_start3A_25 = tpu.memref_slice %arg3[%mul3A_13] : memref<262144xi32, #tpu.memory_space<hbm>> -> memref<128xi32, #tpu.memory_space<hbm>>
        tpu.enqueue_dma source(%dma_start3A_25 : memref<128xi32, #tpu.memory_space<hbm>>) target(%arg6 : memref<128xi32, #tpu.memory_space<vmem>>) target_semaphore(%run_scoped3A : memref<!tpu.dma_semaphore, #tpu.memory_space<semaphore_mem>>)
        %dma_wait3A_26 = tpu.memref_slice %arg3[%mul3A_13] : memref<262144xi32, #tpu.memory_space<hbm>> -> memref<128xi32, #tpu.memory_space<hbm>>
        %dma_wait3A_27 = tpu.memref_slice %arg3[%mul3A_13] : memref<262144xi32, #tpu.memory_space<hbm>> -> memref<128xi32, #tpu.memory_space<hbm>>
        tpu.wait_dma2 semaphore(%run_scoped3A : memref<!tpu.dma_semaphore, #tpu.memory_space<semaphore_mem>>) src(%dma_wait3A_27 : memref<128xi32, #tpu.memory_space<hbm>>) dst(%arg6 : memref<128xi32, #tpu.memory_space<vmem>>)
        tpu.yield
      }) : () -> ()
      %dma_start3A = arith.constant 0 : i32
      %dma_start3A_14 = arith.constant 0 : i32
      %dma_start3A_15 = tpu.memref_slice %arg2[%dma_start3A, %dma_start3A_14] : memref<20736x128xf32, #tpu.memory_space<hbm>> -> memref<20736x128xf32, #tpu.memory_space<hbm>>
      tpu.enqueue_indirect_dma source(%dma_start3A_15 : memref<20736x128xf32, #tpu.memory_space<hbm>>) target(%arg7 : memref<128x128xf32, #tpu.memory_space<vmem>>) offsets(%arg6 : memref<128xi32, #tpu.memory_space<vmem>>) semaphore(%arg10 : memref<!tpu.dma_semaphore, #tpu.memory_space<semaphore_mem>>)
      "tpu.region"() ({
        %run_scoped3A = tpu.sem_alloc : memref<!tpu.dma_semaphore, #tpu.memory_space<semaphore_mem>>
        %dma_start3A_24 = arith.constant 0 : i32
        %dma_start3A_25 = arith.constant 0 : i32
        %dma_start3A_26 = tpu.memref_slice %arg4[%add3A_11, %dma_start3A_24, %dma_start3A_25] : memref<32768x8x16xf32, #tpu.memory_space<hbm>> -> memref<16x8x16xf32, #tpu.memory_space<hbm>>
        %dma_start3A_27 = arith.constant 0 : i32
        %dma_start3A_28 = arith.constant 0 : i32
        %dma_start3A_29 = tpu.memref_slice %arg4[%add3A_11, %dma_start3A_27, %dma_start3A_28] : memref<32768x8x16xf32, #tpu.memory_space<hbm>> -> memref<16x8x16xf32, #tpu.memory_space<hbm>>
        tpu.enqueue_dma source(%dma_start3A_29 : memref<16x8x16xf32, #tpu.memory_space<hbm>>) target(%arg8 : memref<16x8x16xf32, #tpu.memory_space<vmem>>) target_semaphore(%run_scoped3A : memref<!tpu.dma_semaphore, #tpu.memory_space<semaphore_mem>>)
        %dma_wait3A_30 = arith.constant 0 : i32
        %dma_wait3A_31 = arith.constant 0 : i32
        %dma_wait3A_32 = tpu.memref_slice %arg4[%add3A_11, %dma_wait3A_30, %dma_wait3A_31] : memref<32768x8x16xf32, #tpu.memory_space<hbm>> -> memref<16x8x16xf32, #tpu.memory_space<hbm>>
        %dma_wait3A_33 = arith.constant 0 : i32
        %dma_wait3A_34 = arith.constant 0 : i32
        %dma_wait3A_35 = tpu.memref_slice %arg4[%add3A_11, %dma_wait3A_33, %dma_wait3A_34] : memref<32768x8x16xf32, #tpu.memory_space<hbm>> -> memref<16x8x16xf32, #tpu.memory_space<hbm>>
        tpu.wait_dma2 semaphore(%run_scoped3A : memref<!tpu.dma_semaphore, #tpu.memory_space<semaphore_mem>>) src(%dma_wait3A_35 : memref<16x8x16xf32, #tpu.memory_space<hbm>>) dst(%arg8 : memref<16x8x16xf32, #tpu.memory_space<vmem>>)
        tpu.yield
      }) : () -> ()
      %dma_wait3A = arith.constant 0 : i32
      %dma_wait3A_16 = arith.constant 0 : i32
      %dma_wait3A_17 = tpu.memref_slice %arg2[%dma_wait3A, %dma_wait3A_16] : memref<20736x128xf32, #tpu.memory_space<hbm>> -> memref<20736x128xf32, #tpu.memory_space<hbm>>
      tpu.wait_indirect_dma semaphore(%arg10 : memref<!tpu.dma_semaphore, #tpu.memory_space<semaphore_mem>>) src(%dma_wait3A_17 : memref<20736x128xf32, #tpu.memory_space<hbm>>) dst(%arg7 : memref<128x128xf32, #tpu.memory_space<vmem>>)
      %scan3A_18 = arith.constant 0 : i32
      %scan3A_19 = arith.constant 0 : i32
      %scan3A_20 = arith.constant 16 : i32
      %scan3A_21 = arith.addi %scan3A_19, %scan3A_20 : i32
      %scan3A_22 = arith.constant 1 : i32
      scf.for %scan3A_24 = %scan3A_19 to %scan3A_21 step %scan3A_22  : i32 {
        %broadcast_in_dim3A = arith.constant 0.000000e+00 : f32
        %broadcast_in_dim3A_25 = vector.broadcast %broadcast_in_dim3A : f32 to vector<16xf32>
        %broadcast_in_dim3A_26 = arith.constant 0.000000e+00 : f32
        %broadcast_in_dim3A_27 = vector.broadcast %broadcast_in_dim3A_26 : f32 to vector<16xf32>
        %broadcast_in_dim3A_28 = arith.constant 0.000000e+00 : f32
        %broadcast_in_dim3A_29 = vector.broadcast %broadcast_in_dim3A_28 : f32 to vector<16xf32>
        %broadcast_in_dim3A_30 = arith.constant 0.000000e+00 : f32
        %broadcast_in_dim3A_31 = vector.broadcast %broadcast_in_dim3A_30 : f32 to vector<16xf32>
        %get3A = arith.constant 0 : i32
        %get3A_32 = arith.index_cast %scan3A_24 : i32 to index
        %get3A_33 = arith.index_cast %get3A : i32 to index
        %get3A_34 = arith.constant 0 : index
        %get3A_35 = tpu.vector_load %arg8[%get3A_32, %get3A_33, %get3A_34] {strides = array<i32>} : memref<16x8x16xf32, #tpu.memory_space<vmem>>, vector<1x1x16xf32>,
        %get3A_36 = vector.shape_cast %get3A_35 : vector<1x1x16xf32> to vector<16xf32>
        %mul3A_37 = arith.constant 8 : i32
        %mul3A_38 = arith.muli %scan3A_24, %mul3A_37 : i32
        %add3A_39 = arith.constant 0 : i32
        %add3A_40 = arith.addi %mul3A_38, %add3A_39 : i32
        %get3A_41 = arith.index_cast %add3A_40 : i32 to index
        %get3A_42 = arith.constant 0 : index
        %get3A_43 = tpu.vector_load %arg7[%get3A_41, %get3A_42] {strides = array<i32>} : memref<128x128xf32, #tpu.memory_space<vmem>>, vector<1x16xf32>,
        %get3A_44 = vector.shape_cast %get3A_43 : vector<1x16xf32> to vector<16xf32>
        %mul3A_45 = arith.mulf %get3A_36, %get3A_44 : vector<16xf32>
        %add3A_46 = arith.addf %broadcast_in_dim3A_25, %mul3A_45 : vector<16xf32>
        %mul3A_47 = arith.constant 8 : i32
        %mul3A_48 = arith.muli %scan3A_24, %mul3A_47 : i32
        %add3A_49 = arith.constant 0 : i32
        %add3A_50 = arith.addi %mul3A_48, %add3A_49 : i32
        %get3A_51 = arith.index_cast %add3A_50 : i32 to index
        %get3A_52 = arith.constant 16 : index
        %get3A_53 = tpu.vector_load %arg7[%get3A_51, %get3A_52] {strides = array<i32>} : memref<128x128xf32, #tpu.memory_space<vmem>>, vector<1x16xf32>,
        %get3A_54 = vector.shape_cast %get3A_53 : vector<1x16xf32> to vector<16xf32>
        %mul3A_55 = arith.mulf %get3A_36, %get3A_54 : vector<16xf32>
        %add3A_56 = arith.addf %broadcast_in_dim3A_27, %mul3A_55 : vector<16xf32>
        %mul3A_57 = arith.constant 8 : i32
        %mul3A_58 = arith.muli %scan3A_24, %mul3A_57 : i32
        %add3A_59 = arith.constant 0 : i32
        %add3A_60 = arith.addi %mul3A_58, %add3A_59 : i32
        %get3A_61 = arith.index_cast %add3A_60 : i32 to index
        %get3A_62 = arith.constant 32 : index
        %get3A_63 = tpu.vector_load %arg7[%get3A_61, %get3A_62] {strides = array<i32>} : memref<128x128xf32, #tpu.memory_space<vmem>>, vector<1x16xf32>,
        %get3A_64 = vector.shape_cast %get3A_63 : vector<1x16xf32> to vector<16xf32>
        %mul3A_65 = arith.mulf %get3A_36, %get3A_64 : vector<16xf32>
        %add3A_66 = arith.addf %broadcast_in_dim3A_29, %mul3A_65 : vector<16xf32>
        %mul3A_67 = arith.constant 8 : i32
        %mul3A_68 = arith.muli %scan3A_24, %mul3A_67 : i32
        %add3A_69 = arith.constant 0 : i32
        %add3A_70 = arith.addi %mul3A_68, %add3A_69 : i32
        %get3A_71 = arith.index_cast %add3A_70 : i32 to index
        %get3A_72 = arith.constant 48 : index
        %get3A_73 = tpu.vector_load %arg7[%get3A_71, %get3A_72] {strides = array<i32>} : memref<128x128xf32, #tpu.memory_space<vmem>>, vector<1x16xf32>,
        %get3A_74 = vector.shape_cast %get3A_73 : vector<1x16xf32> to vector<16xf32>
        %mul3A_75 = arith.mulf %get3A_36, %get3A_74 : vector<16xf32>
        %add3A_76 = arith.addf %broadcast_in_dim3A_31, %mul3A_75 : vector<16xf32>
        %get3A_77 = arith.constant 1 : i32
        %get3A_78 = arith.index_cast %scan3A_24 : i32 to index
        %get3A_79 = arith.index_cast %get3A_77 : i32 to index
        %get3A_80 = arith.constant 0 : index
        %get3A_81 = tpu.vector_load %arg8[%get3A_78, %get3A_79, %get3A_80] {strides = array<i32>} : memref<16x8x16xf32, #tpu.memory_space<vmem>>, vector<1x1x16xf32>,
        %get3A_82 = vector.shape_cast %get3A_81 : vector<1x1x16xf32> to vector<16xf32>
        %mul3A_83 = arith.constant 8 : i32
        %mul3A_84 = arith.muli %scan3A_24, %mul3A_83 : i32
        %add3A_85 = arith.constant 1 : i32
        %add3A_86 = arith.addi %mul3A_84, %add3A_85 : i32
        %get3A_87 = arith.index_cast %add3A_86 : i32 to index
        %get3A_88 = arith.constant 0 : index
        %get3A_89 = tpu.vector_load %arg7[%get3A_87, %get3A_88] {strides = array<i32>} : memref<128x128xf32, #tpu.memory_space<vmem>>, vector<1x16xf32>,
        %get3A_90 = vector.shape_cast %get3A_89 : vector<1x16xf32> to vector<16xf32>
        %mul3A_91 = arith.mulf %get3A_82, %get3A_90 : vector<16xf32>
        %add3A_92 = arith.addf %add3A_46, %mul3A_91 : vector<16xf32>
        %mul3A_93 = arith.constant 8 : i32
        %mul3A_94 = arith.muli %scan3A_24, %mul3A_93 : i32
        %add3A_95 = arith.constant 1 : i32
        %add3A_96 = arith.addi %mul3A_94, %add3A_95 : i32
        %get3A_97 = arith.index_cast %add3A_96 : i32 to index
        %get3A_98 = arith.constant 16 : index
        %get3A_99 = tpu.vector_load %arg7[%get3A_97, %get3A_98] {strides = array<i32>} : memref<128x128xf32, #tpu.memory_space<vmem>>, vector<1x16xf32>,
        %get3A_100 = vector.shape_cast %get3A_99 : vector<1x16xf32> to vector<16xf32>
        %mul3A_101 = arith.mulf %get3A_82, %get3A_100 : vector<16xf32>
        %add3A_102 = arith.addf %add3A_56, %mul3A_101 : vector<16xf32>
        %mul3A_103 = arith.constant 8 : i32
        %mul3A_104 = arith.muli %scan3A_24, %mul3A_103 : i32
        %add3A_105 = arith.constant 1 : i32
        %add3A_106 = arith.addi %mul3A_104, %add3A_105 : i32
        %get3A_107 = arith.index_cast %add3A_106 : i32 to index
        %get3A_108 = arith.constant 32 : index
        %get3A_109 = tpu.vector_load %arg7[%get3A_107, %get3A_108] {strides = array<i32>} : memref<128x128xf32, #tpu.memory_space<vmem>>, vector<1x16xf32>,
        %get3A_110 = vector.shape_cast %get3A_109 : vector<1x16xf32> to vector<16xf32>
        %mul3A_111 = arith.mulf %get3A_82, %get3A_110 : vector<16xf32>
        %add3A_112 = arith.addf %add3A_66, %mul3A_111 : vector<16xf32>
        %mul3A_113 = arith.constant 8 : i32
        %mul3A_114 = arith.muli %scan3A_24, %mul3A_113 : i32
        %add3A_115 = arith.constant 1 : i32
        %add3A_116 = arith.addi %mul3A_114, %add3A_115 : i32
        %get3A_117 = arith.index_cast %add3A_116 : i32 to index
        %get3A_118 = arith.constant 48 : index
        %get3A_119 = tpu.vector_load %arg7[%get3A_117, %get3A_118] {strides = array<i32>} : memref<128x128xf32, #tpu.memory_space<vmem>>, vector<1x16xf32>,
        %get3A_120 = vector.shape_cast %get3A_119 : vector<1x16xf32> to vector<16xf32>
        %mul3A_121 = arith.mulf %get3A_82, %get3A_120 : vector<16xf32>
        %add3A_122 = arith.addf %add3A_76, %mul3A_121 : vector<16xf32>
        %get3A_123 = arith.constant 2 : i32
        %get3A_124 = arith.index_cast %scan3A_24 : i32 to index
        %get3A_125 = arith.index_cast %get3A_123 : i32 to index
        %get3A_126 = arith.constant 0 : index
        %get3A_127 = tpu.vector_load %arg8[%get3A_124, %get3A_125, %get3A_126] {strides = array<i32>} : memref<16x8x16xf32, #tpu.memory_space<vmem>>, vector<1x1x16xf32>,
        %get3A_128 = vector.shape_cast %get3A_127 : vector<1x1x16xf32> to vector<16xf32>
        %mul3A_129 = arith.constant 8 : i32
        %mul3A_130 = arith.muli %scan3A_24, %mul3A_129 : i32
        %add3A_131 = arith.constant 2 : i32
        %add3A_132 = arith.addi %mul3A_130, %add3A_131 : i32
        %get3A_133 = arith.index_cast %add3A_132 : i32 to index
        %get3A_134 = arith.constant 0 : index
        %get3A_135 = tpu.vector_load %arg7[%get3A_133, %get3A_134] {strides = array<i32>} : memref<128x128xf32, #tpu.memory_space<vmem>>, vector<1x16xf32>,
        %get3A_136 = vector.shape_cast %get3A_135 : vector<1x16xf32> to vector<16xf32>
        %mul3A_137 = arith.mulf %get3A_128, %get3A_136 : vector<16xf32>
        %add3A_138 = arith.addf %add3A_92, %mul3A_137 : vector<16xf32>
        %mul3A_139 = arith.constant 8 : i32
        %mul3A_140 = arith.muli %scan3A_24, %mul3A_139 : i32
        %add3A_141 = arith.constant 2 : i32
        %add3A_142 = arith.addi %mul3A_140, %add3A_141 : i32
        %get3A_143 = arith.index_cast %add3A_142 : i32 to index
        %get3A_144 = arith.constant 16 : index
        %get3A_145 = tpu.vector_load %arg7[%get3A_143, %get3A_144] {strides = array<i32>} : memref<128x128xf32, #tpu.memory_space<vmem>>, vector<1x16xf32>,
        %get3A_146 = vector.shape_cast %get3A_145 : vector<1x16xf32> to vector<16xf32>
        %mul3A_147 = arith.mulf %get3A_128, %get3A_146 : vector<16xf32>
        %add3A_148 = arith.addf %add3A_102, %mul3A_147 : vector<16xf32>
        %mul3A_149 = arith.constant 8 : i32
        %mul3A_150 = arith.muli %scan3A_24, %mul3A_149 : i32
        %add3A_151 = arith.constant 2 : i32
        %add3A_152 = arith.addi %mul3A_150, %add3A_151 : i32
        %get3A_153 = arith.index_cast %add3A_152 : i32 to index
        %get3A_154 = arith.constant 32 : index
        %get3A_155 = tpu.vector_load %arg7[%get3A_153, %get3A_154] {strides = array<i32>} : memref<128x128xf32, #tpu.memory_space<vmem>>, vector<1x16xf32>,
        %get3A_156 = vector.shape_cast %get3A_155 : vector<1x16xf32> to vector<16xf32>
        %mul3A_157 = arith.mulf %get3A_128, %get3A_156 : vector<16xf32>
        %add3A_158 = arith.addf %add3A_112, %mul3A_157 : vector<16xf32>
        %mul3A_159 = arith.constant 8 : i32
        %mul3A_160 = arith.muli %scan3A_24, %mul3A_159 : i32
        %add3A_161 = arith.constant 2 : i32
        %add3A_162 = arith.addi %mul3A_160, %add3A_161 : i32
        %get3A_163 = arith.index_cast %add3A_162 : i32 to index
        %get3A_164 = arith.constant 48 : index
        %get3A_165 = tpu.vector_load %arg7[%get3A_163, %get3A_164] {strides = array<i32>} : memref<128x128xf32, #tpu.memory_space<vmem>>, vector<1x16xf32>,
        %get3A_166 = vector.shape_cast %get3A_165 : vector<1x16xf32> to vector<16xf32>
        %mul3A_167 = arith.mulf %get3A_128, %get3A_166 : vector<16xf32>
        %add3A_168 = arith.addf %add3A_122, %mul3A_167 : vector<16xf32>
        %get3A_169 = arith.constant 3 : i32
        %get3A_170 = arith.index_cast %scan3A_24 : i32 to index
        %get3A_171 = arith.index_cast %get3A_169 : i32 to index
        %get3A_172 = arith.constant 0 : index
        %get3A_173 = tpu.vector_load %arg8[%get3A_170, %get3A_171, %get3A_172] {strides = array<i32>} : memref<16x8x16xf32, #tpu.memory_space<vmem>>, vector<1x1x16xf32>,
        %get3A_174 = vector.shape_cast %get3A_173 : vector<1x1x16xf32> to vector<16xf32>
        %mul3A_175 = arith.constant 8 : i32
        %mul3A_176 = arith.muli %scan3A_24, %mul3A_175 : i32
        %add3A_177 = arith.constant 3 : i32
        %add3A_178 = arith.addi %mul3A_176, %add3A_177 : i32
        %get3A_179 = arith.index_cast %add3A_178 : i32 to index
        %get3A_180 = arith.constant 0 : index
        %get3A_181 = tpu.vector_load %arg7[%get3A_179, %get3A_180] {strides = array<i32>} : memref<128x128xf32, #tpu.memory_space<vmem>>, vector<1x16xf32>,
        %get3A_182 = vector.shape_cast %get3A_181 : vector<1x16xf32> to vector<16xf32>
        %mul3A_183 = arith.mulf %get3A_174, %get3A_182 : vector<16xf32>
        %add3A_184 = arith.addf %add3A_138, %mul3A_183 : vector<16xf32>
        %mul3A_185 = arith.constant 8 : i32
        %mul3A_186 = arith.muli %scan3A_24, %mul3A_185 : i32
        %add3A_187 = arith.constant 3 : i32
        %add3A_188 = arith.addi %mul3A_186, %add3A_187 : i32
        %get3A_189 = arith.index_cast %add3A_188 : i32 to index
        %get3A_190 = arith.constant 16 : index
        %get3A_191 = tpu.vector_load %arg7[%get3A_189, %get3A_190] {strides = array<i32>} : memref<128x128xf32, #tpu.memory_space<vmem>>, vector<1x16xf32>,
        %get3A_192 = vector.shape_cast %get3A_191 : vector<1x16xf32> to vector<16xf32>
        %mul3A_193 = arith.mulf %get3A_174, %get3A_192 : vector<16xf32>
        %add3A_194 = arith.addf %add3A_148, %mul3A_193 : vector<16xf32>
        %mul3A_195 = arith.constant 8 : i32
        %mul3A_196 = arith.muli %scan3A_24, %mul3A_195 : i32
        %add3A_197 = arith.constant 3 : i32
        %add3A_198 = arith.addi %mul3A_196, %add3A_197 : i32
        %get3A_199 = arith.index_cast %add3A_198 : i32 to index
        %get3A_200 = arith.constant 32 : index
        %get3A_201 = tpu.vector_load %arg7[%get3A_199, %get3A_200] {strides = array<i32>} : memref<128x128xf32, #tpu.memory_space<vmem>>, vector<1x16xf32>,
        %get3A_202 = vector.shape_cast %get3A_201 : vector<1x16xf32> to vector<16xf32>
        %mul3A_203 = arith.mulf %get3A_174, %get3A_202 : vector<16xf32>
        %add3A_204 = arith.addf %add3A_158, %mul3A_203 : vector<16xf32>
        %mul3A_205 = arith.constant 8 : i32
        %mul3A_206 = arith.muli %scan3A_24, %mul3A_205 : i32
        %add3A_207 = arith.constant 3 : i32
        %add3A_208 = arith.addi %mul3A_206, %add3A_207 : i32
        %get3A_209 = arith.index_cast %add3A_208 : i32 to index
        %get3A_210 = arith.constant 48 : index
        %get3A_211 = tpu.vector_load %arg7[%get3A_209, %get3A_210] {strides = array<i32>} : memref<128x128xf32, #tpu.memory_space<vmem>>, vector<1x16xf32>,
        %get3A_212 = vector.shape_cast %get3A_211 : vector<1x16xf32> to vector<16xf32>
        %mul3A_213 = arith.mulf %get3A_174, %get3A_212 : vector<16xf32>
        %add3A_214 = arith.addf %add3A_168, %mul3A_213 : vector<16xf32>
        %get3A_215 = arith.constant 4 : i32
        %get3A_216 = arith.index_cast %scan3A_24 : i32 to index
        %get3A_217 = arith.index_cast %get3A_215 : i32 to index
        %get3A_218 = arith.constant 0 : index
        %get3A_219 = tpu.vector_load %arg8[%get3A_216, %get3A_217, %get3A_218] {strides = array<i32>} : memref<16x8x16xf32, #tpu.memory_space<vmem>>, vector<1x1x16xf32>,
        %get3A_220 = vector.shape_cast %get3A_219 : vector<1x1x16xf32> to vector<16xf32>
        %mul3A_221 = arith.constant 8 : i32
        %mul3A_222 = arith.muli %scan3A_24, %mul3A_221 : i32
        %add3A_223 = arith.constant 4 : i32
        %add3A_224 = arith.addi %mul3A_222, %add3A_223 : i32
        %get3A_225 = arith.index_cast %add3A_224 : i32 to index
        %get3A_226 = arith.constant 0 : index
        %get3A_227 = tpu.vector_load %arg7[%get3A_225, %get3A_226] {strides = array<i32>} : memref<128x128xf32, #tpu.memory_space<vmem>>, vector<1x16xf32>,
        %get3A_228 = vector.shape_cast %get3A_227 : vector<1x16xf32> to vector<16xf32>
        %mul3A_229 = arith.mulf %get3A_220, %get3A_228 : vector<16xf32>
        %add3A_230 = arith.addf %add3A_184, %mul3A_229 : vector<16xf32>
        %mul3A_231 = arith.constant 8 : i32
        %mul3A_232 = arith.muli %scan3A_24, %mul3A_231 : i32
        %add3A_233 = arith.constant 4 : i32
        %add3A_234 = arith.addi %mul3A_232, %add3A_233 : i32
        %get3A_235 = arith.index_cast %add3A_234 : i32 to index
        %get3A_236 = arith.constant 16 : index
        %get3A_237 = tpu.vector_load %arg7[%get3A_235, %get3A_236] {strides = array<i32>} : memref<128x128xf32, #tpu.memory_space<vmem>>, vector<1x16xf32>,
        %get3A_238 = vector.shape_cast %get3A_237 : vector<1x16xf32> to vector<16xf32>
        %mul3A_239 = arith.mulf %get3A_220, %get3A_238 : vector<16xf32>
        %add3A_240 = arith.addf %add3A_194, %mul3A_239 : vector<16xf32>
        %mul3A_241 = arith.constant 8 : i32
        %mul3A_242 = arith.muli %scan3A_24, %mul3A_241 : i32
        %add3A_243 = arith.constant 4 : i32
        %add3A_244 = arith.addi %mul3A_242, %add3A_243 : i32
        %get3A_245 = arith.index_cast %add3A_244 : i32 to index
        %get3A_246 = arith.constant 32 : index
        %get3A_247 = tpu.vector_load %arg7[%get3A_245, %get3A_246] {strides = array<i32>} : memref<128x128xf32, #tpu.memory_space<vmem>>, vector<1x16xf32>,
        %get3A_248 = vector.shape_cast %get3A_247 : vector<1x16xf32> to vector<16xf32>
        %mul3A_249 = arith.mulf %get3A_220, %get3A_248 : vector<16xf32>
        %add3A_250 = arith.addf %add3A_204, %mul3A_249 : vector<16xf32>
        %mul3A_251 = arith.constant 8 : i32
        %mul3A_252 = arith.muli %scan3A_24, %mul3A_251 : i32
        %add3A_253 = arith.constant 4 : i32
        %add3A_254 = arith.addi %mul3A_252, %add3A_253 : i32
        %get3A_255 = arith.index_cast %add3A_254 : i32 to index
        %get3A_256 = arith.constant 48 : index
        %get3A_257 = tpu.vector_load %arg7[%get3A_255, %get3A_256] {strides = array<i32>} : memref<128x128xf32, #tpu.memory_space<vmem>>, vector<1x16xf32>,
        %get3A_258 = vector.shape_cast %get3A_257 : vector<1x16xf32> to vector<16xf32>
        %mul3A_259 = arith.mulf %get3A_220, %get3A_258 : vector<16xf32>
        %add3A_260 = arith.addf %add3A_214, %mul3A_259 : vector<16xf32>
        %get3A_261 = arith.constant 5 : i32
        %get3A_262 = arith.index_cast %scan3A_24 : i32 to index
        %get3A_263 = arith.index_cast %get3A_261 : i32 to index
        %get3A_264 = arith.constant 0 : index
        %get3A_265 = tpu.vector_load %arg8[%get3A_262, %get3A_263, %get3A_264] {strides = array<i32>} : memref<16x8x16xf32, #tpu.memory_space<vmem>>, vector<1x1x16xf32>,
        %get3A_266 = vector.shape_cast %get3A_265 : vector<1x1x16xf32> to vector<16xf32>
        %mul3A_267 = arith.constant 8 : i32
        %mul3A_268 = arith.muli %scan3A_24, %mul3A_267 : i32
        %add3A_269 = arith.constant 5 : i32
        %add3A_270 = arith.addi %mul3A_268, %add3A_269 : i32
        %get3A_271 = arith.index_cast %add3A_270 : i32 to index
        %get3A_272 = arith.constant 0 : index
        %get3A_273 = tpu.vector_load %arg7[%get3A_271, %get3A_272] {strides = array<i32>} : memref<128x128xf32, #tpu.memory_space<vmem>>, vector<1x16xf32>,
        %get3A_274 = vector.shape_cast %get3A_273 : vector<1x16xf32> to vector<16xf32>
        %mul3A_275 = arith.mulf %get3A_266, %get3A_274 : vector<16xf32>
        %add3A_276 = arith.addf %add3A_230, %mul3A_275 : vector<16xf32>
        %mul3A_277 = arith.constant 8 : i32
        %mul3A_278 = arith.muli %scan3A_24, %mul3A_277 : i32
        %add3A_279 = arith.constant 5 : i32
        %add3A_280 = arith.addi %mul3A_278, %add3A_279 : i32
        %get3A_281 = arith.index_cast %add3A_280 : i32 to index
        %get3A_282 = arith.constant 16 : index
        %get3A_283 = tpu.vector_load %arg7[%get3A_281, %get3A_282] {strides = array<i32>} : memref<128x128xf32, #tpu.memory_space<vmem>>, vector<1x16xf32>,
        %get3A_284 = vector.shape_cast %get3A_283 : vector<1x16xf32> to vector<16xf32>
        %mul3A_285 = arith.mulf %get3A_266, %get3A_284 : vector<16xf32>
        %add3A_286 = arith.addf %add3A_240, %mul3A_285 : vector<16xf32>
        %mul3A_287 = arith.constant 8 : i32
        %mul3A_288 = arith.muli %scan3A_24, %mul3A_287 : i32
        %add3A_289 = arith.constant 5 : i32
        %add3A_290 = arith.addi %mul3A_288, %add3A_289 : i32
        %get3A_291 = arith.index_cast %add3A_290 : i32 to index
        %get3A_292 = arith.constant 32 : index
        %get3A_293 = tpu.vector_load %arg7[%get3A_291, %get3A_292] {strides = array<i32>} : memref<128x128xf32, #tpu.memory_space<vmem>>, vector<1x16xf32>,
        %get3A_294 = vector.shape_cast %get3A_293 : vector<1x16xf32> to vector<16xf32>
        %mul3A_295 = arith.mulf %get3A_266, %get3A_294 : vector<16xf32>
        %add3A_296 = arith.addf %add3A_250, %mul3A_295 : vector<16xf32>
        %mul3A_297 = arith.constant 8 : i32
        %mul3A_298 = arith.muli %scan3A_24, %mul3A_297 : i32
        %add3A_299 = arith.constant 5 : i32
        %add3A_300 = arith.addi %mul3A_298, %add3A_299 : i32
        %get3A_301 = arith.index_cast %add3A_300 : i32 to index
        %get3A_302 = arith.constant 48 : index
        %get3A_303 = tpu.vector_load %arg7[%get3A_301, %get3A_302] {strides = array<i32>} : memref<128x128xf32, #tpu.memory_space<vmem>>, vector<1x16xf32>,
        %get3A_304 = vector.shape_cast %get3A_303 : vector<1x16xf32> to vector<16xf32>
        %mul3A_305 = arith.mulf %get3A_266, %get3A_304 : vector<16xf32>
        %add3A_306 = arith.addf %add3A_260, %mul3A_305 : vector<16xf32>
        %get3A_307 = arith.constant 6 : i32
        %get3A_308 = arith.index_cast %scan3A_24 : i32 to index
        %get3A_309 = arith.index_cast %get3A_307 : i32 to index
        %get3A_310 = arith.constant 0 : index
        %get3A_311 = tpu.vector_load %arg8[%get3A_308, %get3A_309, %get3A_310] {strides = array<i32>} : memref<16x8x16xf32, #tpu.memory_space<vmem>>, vector<1x1x16xf32>,
        %get3A_312 = vector.shape_cast %get3A_311 : vector<1x1x16xf32> to vector<16xf32>
        %mul3A_313 = arith.constant 8 : i32
        %mul3A_314 = arith.muli %scan3A_24, %mul3A_313 : i32
        %add3A_315 = arith.constant 6 : i32
        %add3A_316 = arith.addi %mul3A_314, %add3A_315 : i32
        %get3A_317 = arith.index_cast %add3A_316 : i32 to index
        %get3A_318 = arith.constant 0 : index
        %get3A_319 = tpu.vector_load %arg7[%get3A_317, %get3A_318] {strides = array<i32>} : memref<128x128xf32, #tpu.memory_space<vmem>>, vector<1x16xf32>,
        %get3A_320 = vector.shape_cast %get3A_319 : vector<1x16xf32> to vector<16xf32>
        %mul3A_321 = arith.mulf %get3A_312, %get3A_320 : vector<16xf32>
        %add3A_322 = arith.addf %add3A_276, %mul3A_321 : vector<16xf32>
        %mul3A_323 = arith.constant 8 : i32
        %mul3A_324 = arith.muli %scan3A_24, %mul3A_323 : i32
        %add3A_325 = arith.constant 6 : i32
        %add3A_326 = arith.addi %mul3A_324, %add3A_325 : i32
        %get3A_327 = arith.index_cast %add3A_326 : i32 to index
        %get3A_328 = arith.constant 16 : index
        %get3A_329 = tpu.vector_load %arg7[%get3A_327, %get3A_328] {strides = array<i32>} : memref<128x128xf32, #tpu.memory_space<vmem>>, vector<1x16xf32>,
        %get3A_330 = vector.shape_cast %get3A_329 : vector<1x16xf32> to vector<16xf32>
        %mul3A_331 = arith.mulf %get3A_312, %get3A_330 : vector<16xf32>
        %add3A_332 = arith.addf %add3A_286, %mul3A_331 : vector<16xf32>
        %mul3A_333 = arith.constant 8 : i32
        %mul3A_334 = arith.muli %scan3A_24, %mul3A_333 : i32
        %add3A_335 = arith.constant 6 : i32
        %add3A_336 = arith.addi %mul3A_334, %add3A_335 : i32
        %get3A_337 = arith.index_cast %add3A_336 : i32 to index
        %get3A_338 = arith.constant 32 : index
        %get3A_339 = tpu.vector_load %arg7[%get3A_337, %get3A_338] {strides = array<i32>} : memref<128x128xf32, #tpu.memory_space<vmem>>, vector<1x16xf32>,
        %get3A_340 = vector.shape_cast %get3A_339 : vector<1x16xf32> to vector<16xf32>
        %mul3A_341 = arith.mulf %get3A_312, %get3A_340 : vector<16xf32>
        %add3A_342 = arith.addf %add3A_296, %mul3A_341 : vector<16xf32>
        %mul3A_343 = arith.constant 8 : i32
        %mul3A_344 = arith.muli %scan3A_24, %mul3A_343 : i32
        %add3A_345 = arith.constant 6 : i32
        %add3A_346 = arith.addi %mul3A_344, %add3A_345 : i32
        %get3A_347 = arith.index_cast %add3A_346 : i32 to index
        %get3A_348 = arith.constant 48 : index
        %get3A_349 = tpu.vector_load %arg7[%get3A_347, %get3A_348] {strides = array<i32>} : memref<128x128xf32, #tpu.memory_space<vmem>>, vector<1x16xf32>,
        %get3A_350 = vector.shape_cast %get3A_349 : vector<1x16xf32> to vector<16xf32>
        %mul3A_351 = arith.mulf %get3A_312, %get3A_350 : vector<16xf32>
        %add3A_352 = arith.addf %add3A_306, %mul3A_351 : vector<16xf32>
        %get3A_353 = arith.constant 7 : i32
        %get3A_354 = arith.index_cast %scan3A_24 : i32 to index
        %get3A_355 = arith.index_cast %get3A_353 : i32 to index
        %get3A_356 = arith.constant 0 : index
        %get3A_357 = tpu.vector_load %arg8[%get3A_354, %get3A_355, %get3A_356] {strides = array<i32>} : memref<16x8x16xf32, #tpu.memory_space<vmem>>, vector<1x1x16xf32>,
        %get3A_358 = vector.shape_cast %get3A_357 : vector<1x1x16xf32> to vector<16xf32>
        %mul3A_359 = arith.constant 8 : i32
        %mul3A_360 = arith.muli %scan3A_24, %mul3A_359 : i32
        %add3A_361 = arith.constant 7 : i32
        %add3A_362 = arith.addi %mul3A_360, %add3A_361 : i32
        %get3A_363 = arith.index_cast %add3A_362 : i32 to index
        %get3A_364 = arith.constant 0 : index
        %get3A_365 = tpu.vector_load %arg7[%get3A_363, %get3A_364] {strides = array<i32>} : memref<128x128xf32, #tpu.memory_space<vmem>>, vector<1x16xf32>,
        %get3A_366 = vector.shape_cast %get3A_365 : vector<1x16xf32> to vector<16xf32>
        %mul3A_367 = arith.mulf %get3A_358, %get3A_366 : vector<16xf32>
        %add3A_368 = arith.addf %add3A_322, %mul3A_367 : vector<16xf32>
        %mul3A_369 = arith.constant 8 : i32
        %mul3A_370 = arith.muli %scan3A_24, %mul3A_369 : i32
        %add3A_371 = arith.constant 7 : i32
        %add3A_372 = arith.addi %mul3A_370, %add3A_371 : i32
        %get3A_373 = arith.index_cast %add3A_372 : i32 to index
        %get3A_374 = arith.constant 16 : index
        %get3A_375 = tpu.vector_load %arg7[%get3A_373, %get3A_374] {strides = array<i32>} : memref<128x128xf32, #tpu.memory_space<vmem>>, vector<1x16xf32>,
        %get3A_376 = vector.shape_cast %get3A_375 : vector<1x16xf32> to vector<16xf32>
        %mul3A_377 = arith.mulf %get3A_358, %get3A_376 : vector<16xf32>
        %add3A_378 = arith.addf %add3A_332, %mul3A_377 : vector<16xf32>
        %mul3A_379 = arith.constant 8 : i32
        %mul3A_380 = arith.muli %scan3A_24, %mul3A_379 : i32
        %add3A_381 = arith.constant 7 : i32
        %add3A_382 = arith.addi %mul3A_380, %add3A_381 : i32
        %get3A_383 = arith.index_cast %add3A_382 : i32 to index
        %get3A_384 = arith.constant 32 : index
        %get3A_385 = tpu.vector_load %arg7[%get3A_383, %get3A_384] {strides = array<i32>} : memref<128x128xf32, #tpu.memory_space<vmem>>, vector<1x16xf32>,
        %get3A_386 = vector.shape_cast %get3A_385 : vector<1x16xf32> to vector<16xf32>
        %mul3A_387 = arith.mulf %get3A_358, %get3A_386 : vector<16xf32>
        %add3A_388 = arith.addf %add3A_342, %mul3A_387 : vector<16xf32>
        %mul3A_389 = arith.constant 8 : i32
        %mul3A_390 = arith.muli %scan3A_24, %mul3A_389 : i32
        %add3A_391 = arith.constant 7 : i32
        %add3A_392 = arith.addi %mul3A_390, %add3A_391 : i32
        %get3A_393 = arith.index_cast %add3A_392 : i32 to index
        %get3A_394 = arith.constant 48 : index
        %get3A_395 = tpu.vector_load %arg7[%get3A_393, %get3A_394] {strides = array<i32>} : memref<128x128xf32, #tpu.memory_space<vmem>>, vector<1x16xf32>,
        %get3A_396 = vector.shape_cast %get3A_395 : vector<1x16xf32> to vector<16xf32>
        %mul3A_397 = arith.mulf %get3A_358, %get3A_396 : vector<16xf32>
        %add3A_398 = arith.addf %add3A_352, %mul3A_397 : vector<16xf32>
        %swap3A = arith.index_cast %scan3A_24 : i32 to index
        %swap3A_399 = arith.constant 0 : index
        %swap3A_400 = tpu.vector_load %arg9[%swap3A, %swap3A_399] {strides = array<i32>} : memref<16x64xf32, #tpu.memory_space<vmem>>, vector<1x16xf32>,
        %swap3A_401 = vector.shape_cast %swap3A_400 : vector<1x16xf32> to vector<16xf32>
        %swap3A_402 = vector.shape_cast %add3A_368 : vector<16xf32> to vector<1x16xf32>
        tpu.vector_store %arg9[%swap3A, %swap3A_399], %swap3A_402 {strides = array<i32>} : memref<16x64xf32, #tpu.memory_space<vmem>>, vector<1x16xf32>,
        %swap3A_403 = arith.index_cast %scan3A_24 : i32 to index
        %swap3A_404 = arith.constant 16 : index
        %swap3A_405 = tpu.vector_load %arg9[%swap3A_403, %swap3A_404] {strides = array<i32>} : memref<16x64xf32, #tpu.memory_space<vmem>>, vector<1x16xf32>,
        %swap3A_406 = vector.shape_cast %swap3A_405 : vector<1x16xf32> to vector<16xf32>
        %swap3A_407 = vector.shape_cast %add3A_378 : vector<16xf32> to vector<1x16xf32>
        tpu.vector_store %arg9[%swap3A_403, %swap3A_404], %swap3A_407 {strides = array<i32>} : memref<16x64xf32, #tpu.memory_space<vmem>>, vector<1x16xf32>,
        %swap3A_408 = arith.index_cast %scan3A_24 : i32 to index
        %swap3A_409 = arith.constant 32 : index
        %swap3A_410 = tpu.vector_load %arg9[%swap3A_408, %swap3A_409] {strides = array<i32>} : memref<16x64xf32, #tpu.memory_space<vmem>>, vector<1x16xf32>,
        %swap3A_411 = vector.shape_cast %swap3A_410 : vector<1x16xf32> to vector<16xf32>
        %swap3A_412 = vector.shape_cast %add3A_388 : vector<16xf32> to vector<1x16xf32>
        tpu.vector_store %arg9[%swap3A_408, %swap3A_409], %swap3A_412 {strides = array<i32>} : memref<16x64xf32, #tpu.memory_space<vmem>>, vector<1x16xf32>,
        %swap3A_413 = arith.index_cast %scan3A_24 : i32 to index
        %swap3A_414 = arith.constant 48 : index
        %swap3A_415 = tpu.vector_load %arg9[%swap3A_413, %swap3A_414] {strides = array<i32>} : memref<16x64xf32, #tpu.memory_space<vmem>>, vector<1x16xf32>,
        %swap3A_416 = vector.shape_cast %swap3A_415 : vector<1x16xf32> to vector<16xf32>
        %swap3A_417 = vector.shape_cast %add3A_398 : vector<16xf32> to vector<1x16xf32>
        tpu.vector_store %arg9[%swap3A_413, %swap3A_414], %swap3A_417 {strides = array<i32>} : memref<16x64xf32, #tpu.memory_space<vmem>>, vector<1x16xf32>,
      }
      %scan3A_23 = arith.constant 16 : i32
      "tpu.region"() ({
        %run_scoped3A = tpu.sem_alloc : memref<!tpu.dma_semaphore, #tpu.memory_space<semaphore_mem>>
        %dma_start3A_24 = arith.constant 0 : i32
        %dma_start3A_25 = tpu.memref_slice %arg5[%add3A_11, %dma_start3A_24] : memref<32768x64xf32, #tpu.memory_space<hbm>> -> memref<16x64xf32, #tpu.memory_space<hbm>>
        %dma_start3A_26 = arith.constant 0 : i32
        %dma_start3A_27 = tpu.memref_slice %arg5[%add3A_11, %dma_start3A_26] : memref<32768x64xf32, #tpu.memory_space<hbm>> -> memref<16x64xf32, #tpu.memory_space<hbm>>
        tpu.enqueue_dma source(%arg9 : memref<16x64xf32, #tpu.memory_space<vmem>>) target(%dma_start3A_27 : memref<16x64xf32, #tpu.memory_space<hbm>>) target_semaphore(%run_scoped3A : memref<!tpu.dma_semaphore, #tpu.memory_space<semaphore_mem>>)
        %dma_wait3A_28 = arith.constant 0 : i32
        %dma_wait3A_29 = tpu.memref_slice %arg5[%add3A_11, %dma_wait3A_28] : memref<32768x64xf32, #tpu.memory_space<hbm>> -> memref<16x64xf32, #tpu.memory_space<hbm>>
        %dma_wait3A_30 = arith.constant 0 : i32
        %dma_wait3A_31 = tpu.memref_slice %arg5[%add3A_11, %dma_wait3A_30] : memref<32768x64xf32, #tpu.memory_space<hbm>> -> memref<16x64xf32, #tpu.memory_space<hbm>>
        tpu.wait_dma2 semaphore(%run_scoped3A : memref<!tpu.dma_semaphore, #tpu.memory_space<semaphore_mem>>) src(%arg9 : memref<16x64xf32, #tpu.memory_space<vmem>>) dst(%dma_wait3A_31 : memref<16x64xf32, #tpu.memory_space<hbm>>)
        tpu.yield
      }) : () -> ()
    }
    %scan3A_7 = arith.constant 64 : i32
    return
  }
}

module attributes {stable_mosaic.version = 14 : i64} {
  func.func @_topk_body(%arg0: i32, %arg1: memref<256x8xf32, #tpu.memory_space<vmem>>, %arg2: memref<8x10368xf32, #tpu.memory_space<vmem>>, %arg3: memref<1x10368xf32, #tpu.memory_space<vmem>>, %arg4: memref<256x8xi32, #tpu.memory_space<vmem>>, %arg5: memref<256x8xf32, #tpu.memory_space<vmem>>) attributes {dimension_semantics = [#tpu.dimension_semantics<arbitrary>], iteration_bounds = array<i64: 64>, scalar_prefetch = 0 : i64, scratch_operands = 0 : i64, tpu.core_type = #tpu.core_type<tc>, window_params = [{transform_indices = @transform_0, window_bounds = array<i64: 256, 8>}, {pipeline_mode = #tpu.pipeline_mode<synchronous>, transform_indices = @transform_1, window_bounds = array<i64: 8, 10368>}, {pipeline_mode = #tpu.pipeline_mode<synchronous>, transform_indices = @transform_2, window_bounds = array<i64: 1, 10368>}, {transform_indices = @transform_3, window_bounds = array<i64: 256, 8>}, {transform_indices = @transform_4, window_bounds = array<i64: 256, 8>}]} {
    %get3A = arith.constant 0 : index
    %get3A_0 = arith.constant 0 : index
    %get3A_1 = vector.load %arg1[%get3A, %get3A_0] : memref<256x8xf32, #tpu.memory_space<vmem>>, vector<256x8xf32>
    %slice3A = vector.extract_strided_slice %get3A_1 {offsets = [0, 0], sizes = [256, 1], strides = [1, 1]} : vector<256x8xf32> to vector<256x1xf32>
    %slice3A_2 = vector.extract_strided_slice %get3A_1 {offsets = [0, 1], sizes = [256, 1], strides = [1, 1]} : vector<256x8xf32> to vector<256x1xf32>
    %slice3A_3 = vector.extract_strided_slice %get3A_1 {offsets = [0, 2], sizes = [256, 1], strides = [1, 1]} : vector<256x8xf32> to vector<256x1xf32>
    %mul3A = arith.mulf %slice3A, %slice3A : vector<256x1xf32>
    %mul3A_4 = arith.mulf %slice3A_2, %slice3A_2 : vector<256x1xf32>
    %add3A = arith.addf %mul3A, %mul3A_4 : vector<256x1xf32>
    %mul3A_5 = arith.mulf %slice3A_3, %slice3A_3 : vector<256x1xf32>
    %add3A_6 = arith.addf %add3A, %mul3A_5 : vector<256x1xf32>
    %convert_element_type3A = arith.truncf %get3A_1 : vector<256x8xf32> to vector<256x8xbf16>
    %get3A_7 = arith.constant 0 : index
    %get3A_8 = arith.constant 0 : index
    %get3A_9 = vector.load %arg2[%get3A_7, %get3A_8] : memref<8x10368xf32, #tpu.memory_space<vmem>>, vector<8x10368xf32>
    %convert_element_type3A_10 = arith.truncf %get3A_9 : vector<8x10368xf32> to vector<8x10368xbf16>
    %dot_general3A = arith.constant dense<0.000000e+00> : vector<256x10368xf32>
    %dot_general3A_11 = tpu.matmul %convert_element_type3A, %convert_element_type3A_10, %dot_general3A {dimension_numbers = #tpu.dot_dimension_numbers<[1], [0], [0], [1], [0, 0, 1, 1], [], []>, transpose_lhs_hint = false} : vector<256x8xbf16>, vector<8x10368xbf16>, vector<256x10368xf32> -> vector<256x10368xf32>
    %get3A_12 = arith.constant 0 : index
    %get3A_13 = arith.constant 0 : index
    %get3A_14 = vector.load %arg3[%get3A_12, %get3A_13] : memref<1x10368xf32, #tpu.memory_space<vmem>>, vector<1x10368xf32>
    %add3A_15 = vector.broadcast %add3A_6 : vector<256x1xf32> to vector<256x10368xf32>
    %add3A_16 = vector.broadcast %get3A_14 : vector<1x10368xf32> to vector<256x10368xf32>
    %add3A_17 = arith.addf %add3A_15, %add3A_16 : vector<256x10368xf32>
    %mul3A_18 = arith.constant 2.000000e+00 : f32
    %mul3A_19 = vector.broadcast %mul3A_18 : f32 to vector<256x10368xf32>
    %mul3A_20 = arith.mulf %mul3A_19, %dot_general3A_11 : vector<256x10368xf32>
    %sub3A = arith.subf %add3A_17, %mul3A_20 : vector<256x10368xf32>
    %max3A = arith.constant 0.000000e+00 : f32
    %max3A_21 = vector.broadcast %max3A : f32 to vector<256x10368xf32>
    %max3A_22 = arith.maximumf %sub3A, %max3A_21 : vector<256x10368xf32>
    %add3A_23 = arith.constant 9.99999996E-13 : f32
    %add3A_24 = vector.broadcast %add3A_23 : f32 to vector<256x10368xf32>
    %add3A_25 = arith.addf %max3A_22, %add3A_24 : vector<256x10368xf32>
    %sqrt3A = math.sqrt %add3A_25 : vector<256x10368xf32>
    %iota3A = tpu.iota {dimensions = array<i32: 1>} : vector<256x10368xi32>
    %broadcast_in_dim3A = arith.constant 0.000000e+00 : f32
    %broadcast_in_dim3A_26 = vector.broadcast %broadcast_in_dim3A : f32 to vector<256x1xf32>
    %reduce_min3A = arith.constant dense<0x7F800000> : vector<256xf32>
    %reduce_min3A_27 = vector.multi_reduction <minimumf>, %sqrt3A, %reduce_min3A [1] : vector<256x10368xf32> to vector<256xf32>
    %broadcast_in_dim3A_28 = vector.shape_cast %reduce_min3A_27 : vector<256xf32> to vector<256x1xf32>
    %eq3A = vector.broadcast %broadcast_in_dim3A_28 : vector<256x1xf32> to vector<256x10368xf32>
    %eq3A_29 = arith.cmpf oeq, %sqrt3A, %eq3A : vector<256x10368xf32>
    %jit3A = arith.constant 1073741824 : i32
    %broadcast_in_dim3A_30 = vector.broadcast %jit3A : i32 to vector<256x10368xi32>
    %select_n3A = arith.select %eq3A_29, %iota3A, %broadcast_in_dim3A_30 : vector<256x10368xi1>, vector<256x10368xi32>
    %reduce_min3A_31 = arith.constant dense<2147483647> : vector<256xi32>
    %reduce_min3A_32 = vector.multi_reduction <minsi>, %select_n3A, %reduce_min3A_31 [1] : vector<256x10368xi32> to vector<256xi32>
    %sub3A_33 = arith.subf %broadcast_in_dim3A_28, %broadcast_in_dim3A_28 : vector<256x1xf32>
    %exp3A = math.exp %sub3A_33 : vector<256x1xf32>
    %add3A_34 = arith.addf %broadcast_in_dim3A_26, %exp3A : vector<256x1xf32>
    %swap3A = arith.constant 0 : index
    %swap3A_35 = arith.constant 0 : index
    %swap3A_36 = vector.load %arg4[%swap3A, %swap3A_35] : memref<256x8xi32, #tpu.memory_space<vmem>>, vector<256x1xi32>
    %swap3A_37 = vector.shape_cast %swap3A_36 : vector<256x1xi32> to vector<256xi32>
    %swap3A_38 = vector.shape_cast %reduce_min3A_32 : vector<256xi32> to vector<256x1xi32>
    tpu.vector_store %arg4[%swap3A, %swap3A_35], %swap3A_38 {strides = array<i32>} : memref<256x8xi32, #tpu.memory_space<vmem>>, vector<256x1xi32>,
    %broadcast_in_dim3A_39 = vector.shape_cast %reduce_min3A_32 : vector<256xi32> to vector<256x1xi32>
    %eq3A_40 = vector.broadcast %broadcast_in_dim3A_39 : vector<256x1xi32> to vector<256x10368xi32>
    %eq3A_41 = arith.cmpi eq, %iota3A, %eq3A_40 : vector<256x10368xi32>
    %jit3A_42 = arith.constant 3.000000e+38 : f32
    %broadcast_in_dim3A_43 = vector.broadcast %jit3A_42 : f32 to vector<256x10368xf32>
    %select_n3A_44 = arith.select %eq3A_41, %broadcast_in_dim3A_43, %sqrt3A : vector<256x10368xi1>, vector<256x10368xf32>
    %reduce_min3A_45 = arith.constant dense<0x7F800000> : vector<256xf32>
    %reduce_min3A_46 = vector.multi_reduction <minimumf>, %select_n3A_44, %reduce_min3A_45 [1] : vector<256x10368xf32> to vector<256xf32>
    %broadcast_in_dim3A_47 = vector.shape_cast %reduce_min3A_46 : vector<256xf32> to vector<256x1xf32>
    %eq3A_48 = vector.broadcast %broadcast_in_dim3A_47 : vector<256x1xf32> to vector<256x10368xf32>
    %eq3A_49 = arith.cmpf oeq, %select_n3A_44, %eq3A_48 : vector<256x10368xf32>
    %jit3A_50 = arith.constant 1073741824 : i32
    %broadcast_in_dim3A_51 = vector.broadcast %jit3A_50 : i32 to vector<256x10368xi32>
    %select_n3A_52 = arith.select %eq3A_49, %iota3A, %broadcast_in_dim3A_51 : vector<256x10368xi1>, vector<256x10368xi32>
    %reduce_min3A_53 = arith.constant dense<2147483647> : vector<256xi32>
    %reduce_min3A_54 = vector.multi_reduction <minsi>, %select_n3A_52, %reduce_min3A_53 [1] : vector<256x10368xi32> to vector<256xi32>
    %sub3A_55 = arith.subf %broadcast_in_dim3A_28, %broadcast_in_dim3A_47 : vector<256x1xf32>
    %exp3A_56 = math.exp %sub3A_55 : vector<256x1xf32>
    %add3A_57 = arith.addf %add3A_34, %exp3A_56 : vector<256x1xf32>
    %swap3A_58 = arith.constant 0 : index
    %swap3A_59 = arith.constant 1 : index
    %swap3A_60 = vector.load %arg4[%swap3A_58, %swap3A_59] : memref<256x8xi32, #tpu.memory_space<vmem>>, vector<256x1xi32>
    %swap3A_61 = vector.shape_cast %swap3A_60 : vector<256x1xi32> to vector<256xi32>
    %swap3A_62 = vector.shape_cast %reduce_min3A_54 : vector<256xi32> to vector<256x1xi32>
    tpu.vector_store %arg4[%swap3A_58, %swap3A_59], %swap3A_62 {strides = array<i32>} : memref<256x8xi32, #tpu.memory_space<vmem>>, vector<256x1xi32>,
    %broadcast_in_dim3A_63 = vector.shape_cast %reduce_min3A_54 : vector<256xi32> to vector<256x1xi32>
    %eq3A_64 = vector.broadcast %broadcast_in_dim3A_63 : vector<256x1xi32> to vector<256x10368xi32>
    %eq3A_65 = arith.cmpi eq, %iota3A, %eq3A_64 : vector<256x10368xi32>
    %jit3A_66 = arith.constant 3.000000e+38 : f32
    %broadcast_in_dim3A_67 = vector.broadcast %jit3A_66 : f32 to vector<256x10368xf32>
    %select_n3A_68 = arith.select %eq3A_65, %broadcast_in_dim3A_67, %select_n3A_44 : vector<256x10368xi1>, vector<256x10368xf32>
    %reduce_min3A_69 = arith.constant dense<0x7F800000> : vector<256xf32>
    %reduce_min3A_70 = vector.multi_reduction <minimumf>, %select_n3A_68, %reduce_min3A_69 [1] : vector<256x10368xf32> to vector<256xf32>
    %broadcast_in_dim3A_71 = vector.shape_cast %reduce_min3A_70 : vector<256xf32> to vector<256x1xf32>
    %eq3A_72 = vector.broadcast %broadcast_in_dim3A_71 : vector<256x1xf32> to vector<256x10368xf32>
    %eq3A_73 = arith.cmpf oeq, %select_n3A_68, %eq3A_72 : vector<256x10368xf32>
    %jit3A_74 = arith.constant 1073741824 : i32
    %broadcast_in_dim3A_75 = vector.broadcast %jit3A_74 : i32 to vector<256x10368xi32>
    %select_n3A_76 = arith.select %eq3A_73, %iota3A, %broadcast_in_dim3A_75 : vector<256x10368xi1>, vector<256x10368xi32>
    %reduce_min3A_77 = arith.constant dense<2147483647> : vector<256xi32>
    %reduce_min3A_78 = vector.multi_reduction <minsi>, %select_n3A_76, %reduce_min3A_77 [1] : vector<256x10368xi32> to vector<256xi32>
    %sub3A_79 = arith.subf %broadcast_in_dim3A_28, %broadcast_in_dim3A_71 : vector<256x1xf32>
    %exp3A_80 = math.exp %sub3A_79 : vector<256x1xf32>
    %add3A_81 = arith.addf %add3A_57, %exp3A_80 : vector<256x1xf32>
    %swap3A_82 = arith.constant 0 : index
    %swap3A_83 = arith.constant 2 : index
    %swap3A_84 = vector.load %arg4[%swap3A_82, %swap3A_83] : memref<256x8xi32, #tpu.memory_space<vmem>>, vector<256x1xi32>
    %swap3A_85 = vector.shape_cast %swap3A_84 : vector<256x1xi32> to vector<256xi32>
    %swap3A_86 = vector.shape_cast %reduce_min3A_78 : vector<256xi32> to vector<256x1xi32>
    tpu.vector_store %arg4[%swap3A_82, %swap3A_83], %swap3A_86 {strides = array<i32>} : memref<256x8xi32, #tpu.memory_space<vmem>>, vector<256x1xi32>,
    %broadcast_in_dim3A_87 = vector.shape_cast %reduce_min3A_78 : vector<256xi32> to vector<256x1xi32>
    %eq3A_88 = vector.broadcast %broadcast_in_dim3A_87 : vector<256x1xi32> to vector<256x10368xi32>
    %eq3A_89 = arith.cmpi eq, %iota3A, %eq3A_88 : vector<256x10368xi32>
    %jit3A_90 = arith.constant 3.000000e+38 : f32
    %broadcast_in_dim3A_91 = vector.broadcast %jit3A_90 : f32 to vector<256x10368xf32>
    %select_n3A_92 = arith.select %eq3A_89, %broadcast_in_dim3A_91, %select_n3A_68 : vector<256x10368xi1>, vector<256x10368xf32>
    %reduce_min3A_93 = arith.constant dense<0x7F800000> : vector<256xf32>
    %reduce_min3A_94 = vector.multi_reduction <minimumf>, %select_n3A_92, %reduce_min3A_93 [1] : vector<256x10368xf32> to vector<256xf32>
    %broadcast_in_dim3A_95 = vector.shape_cast %reduce_min3A_94 : vector<256xf32> to vector<256x1xf32>
    %eq3A_96 = vector.broadcast %broadcast_in_dim3A_95 : vector<256x1xf32> to vector<256x10368xf32>
    %eq3A_97 = arith.cmpf oeq, %select_n3A_92, %eq3A_96 : vector<256x10368xf32>
    %jit3A_98 = arith.constant 1073741824 : i32
    %broadcast_in_dim3A_99 = vector.broadcast %jit3A_98 : i32 to vector<256x10368xi32>
    %select_n3A_100 = arith.select %eq3A_97, %iota3A, %broadcast_in_dim3A_99 : vector<256x10368xi1>, vector<256x10368xi32>
    %reduce_min3A_101 = arith.constant dense<2147483647> : vector<256xi32>
    %reduce_min3A_102 = vector.multi_reduction <minsi>, %select_n3A_100, %reduce_min3A_101 [1] : vector<256x10368xi32> to vector<256xi32>
    %sub3A_103 = arith.subf %broadcast_in_dim3A_28, %broadcast_in_dim3A_95 : vector<256x1xf32>
    %exp3A_104 = math.exp %sub3A_103 : vector<256x1xf32>
    %add3A_105 = arith.addf %add3A_81, %exp3A_104 : vector<256x1xf32>
    %swap3A_106 = arith.constant 0 : index
    %swap3A_107 = arith.constant 3 : index
    %swap3A_108 = vector.load %arg4[%swap3A_106, %swap3A_107] : memref<256x8xi32, #tpu.memory_space<vmem>>, vector<256x1xi32>
    %swap3A_109 = vector.shape_cast %swap3A_108 : vector<256x1xi32> to vector<256xi32>
    %swap3A_110 = vector.shape_cast %reduce_min3A_102 : vector<256xi32> to vector<256x1xi32>
    tpu.vector_store %arg4[%swap3A_106, %swap3A_107], %swap3A_110 {strides = array<i32>} : memref<256x8xi32, #tpu.memory_space<vmem>>, vector<256x1xi32>,
    %broadcast_in_dim3A_111 = vector.shape_cast %reduce_min3A_102 : vector<256xi32> to vector<256x1xi32>
    %eq3A_112 = vector.broadcast %broadcast_in_dim3A_111 : vector<256x1xi32> to vector<256x10368xi32>
    %eq3A_113 = arith.cmpi eq, %iota3A, %eq3A_112 : vector<256x10368xi32>
    %jit3A_114 = arith.constant 3.000000e+38 : f32
    %broadcast_in_dim3A_115 = vector.broadcast %jit3A_114 : f32 to vector<256x10368xf32>
    %select_n3A_116 = arith.select %eq3A_113, %broadcast_in_dim3A_115, %select_n3A_92 : vector<256x10368xi1>, vector<256x10368xf32>
    %reduce_min3A_117 = arith.constant dense<0x7F800000> : vector<256xf32>
    %reduce_min3A_118 = vector.multi_reduction <minimumf>, %select_n3A_116, %reduce_min3A_117 [1] : vector<256x10368xf32> to vector<256xf32>
    %broadcast_in_dim3A_119 = vector.shape_cast %reduce_min3A_118 : vector<256xf32> to vector<256x1xf32>
    %eq3A_120 = vector.broadcast %broadcast_in_dim3A_119 : vector<256x1xf32> to vector<256x10368xf32>
    %eq3A_121 = arith.cmpf oeq, %select_n3A_116, %eq3A_120 : vector<256x10368xf32>
    %jit3A_122 = arith.constant 1073741824 : i32
    %broadcast_in_dim3A_123 = vector.broadcast %jit3A_122 : i32 to vector<256x10368xi32>
    %select_n3A_124 = arith.select %eq3A_121, %iota3A, %broadcast_in_dim3A_123 : vector<256x10368xi1>, vector<256x10368xi32>
    %reduce_min3A_125 = arith.constant dense<2147483647> : vector<256xi32>
    %reduce_min3A_126 = vector.multi_reduction <minsi>, %select_n3A_124, %reduce_min3A_125 [1] : vector<256x10368xi32> to vector<256xi32>
    %sub3A_127 = arith.subf %broadcast_in_dim3A_28, %broadcast_in_dim3A_119 : vector<256x1xf32>
    %exp3A_128 = math.exp %sub3A_127 : vector<256x1xf32>
    %add3A_129 = arith.addf %add3A_105, %exp3A_128 : vector<256x1xf32>
    %swap3A_130 = arith.constant 0 : index
    %swap3A_131 = arith.constant 4 : index
    %swap3A_132 = vector.load %arg4[%swap3A_130, %swap3A_131] : memref<256x8xi32, #tpu.memory_space<vmem>>, vector<256x1xi32>
    %swap3A_133 = vector.shape_cast %swap3A_132 : vector<256x1xi32> to vector<256xi32>
    %swap3A_134 = vector.shape_cast %reduce_min3A_126 : vector<256xi32> to vector<256x1xi32>
    tpu.vector_store %arg4[%swap3A_130, %swap3A_131], %swap3A_134 {strides = array<i32>} : memref<256x8xi32, #tpu.memory_space<vmem>>, vector<256x1xi32>,
    %broadcast_in_dim3A_135 = vector.shape_cast %reduce_min3A_126 : vector<256xi32> to vector<256x1xi32>
    %eq3A_136 = vector.broadcast %broadcast_in_dim3A_135 : vector<256x1xi32> to vector<256x10368xi32>
    %eq3A_137 = arith.cmpi eq, %iota3A, %eq3A_136 : vector<256x10368xi32>
    %jit3A_138 = arith.constant 3.000000e+38 : f32
    %broadcast_in_dim3A_139 = vector.broadcast %jit3A_138 : f32 to vector<256x10368xf32>
    %select_n3A_140 = arith.select %eq3A_137, %broadcast_in_dim3A_139, %select_n3A_116 : vector<256x10368xi1>, vector<256x10368xf32>
    %reduce_min3A_141 = arith.constant dense<0x7F800000> : vector<256xf32>
    %reduce_min3A_142 = vector.multi_reduction <minimumf>, %select_n3A_140, %reduce_min3A_141 [1] : vector<256x10368xf32> to vector<256xf32>
    %broadcast_in_dim3A_143 = vector.shape_cast %reduce_min3A_142 : vector<256xf32> to vector<256x1xf32>
    %eq3A_144 = vector.broadcast %broadcast_in_dim3A_143 : vector<256x1xf32> to vector<256x10368xf32>
    %eq3A_145 = arith.cmpf oeq, %select_n3A_140, %eq3A_144 : vector<256x10368xf32>
    %jit3A_146 = arith.constant 1073741824 : i32
    %broadcast_in_dim3A_147 = vector.broadcast %jit3A_146 : i32 to vector<256x10368xi32>
    %select_n3A_148 = arith.select %eq3A_145, %iota3A, %broadcast_in_dim3A_147 : vector<256x10368xi1>, vector<256x10368xi32>
    %reduce_min3A_149 = arith.constant dense<2147483647> : vector<256xi32>
    %reduce_min3A_150 = vector.multi_reduction <minsi>, %select_n3A_148, %reduce_min3A_149 [1] : vector<256x10368xi32> to vector<256xi32>
    %sub3A_151 = arith.subf %broadcast_in_dim3A_28, %broadcast_in_dim3A_143 : vector<256x1xf32>
    %exp3A_152 = math.exp %sub3A_151 : vector<256x1xf32>
    %add3A_153 = arith.addf %add3A_129, %exp3A_152 : vector<256x1xf32>
    %swap3A_154 = arith.constant 0 : index
    %swap3A_155 = arith.constant 5 : index
    %swap3A_156 = vector.load %arg4[%swap3A_154, %swap3A_155] : memref<256x8xi32, #tpu.memory_space<vmem>>, vector<256x1xi32>
    %swap3A_157 = vector.shape_cast %swap3A_156 : vector<256x1xi32> to vector<256xi32>
    %swap3A_158 = vector.shape_cast %reduce_min3A_150 : vector<256xi32> to vector<256x1xi32>
    tpu.vector_store %arg4[%swap3A_154, %swap3A_155], %swap3A_158 {strides = array<i32>} : memref<256x8xi32, #tpu.memory_space<vmem>>, vector<256x1xi32>,
    %broadcast_in_dim3A_159 = vector.shape_cast %reduce_min3A_150 : vector<256xi32> to vector<256x1xi32>
    %eq3A_160 = vector.broadcast %broadcast_in_dim3A_159 : vector<256x1xi32> to vector<256x10368xi32>
    %eq3A_161 = arith.cmpi eq, %iota3A, %eq3A_160 : vector<256x10368xi32>
    %jit3A_162 = arith.constant 3.000000e+38 : f32
    %broadcast_in_dim3A_163 = vector.broadcast %jit3A_162 : f32 to vector<256x10368xf32>
    %select_n3A_164 = arith.select %eq3A_161, %broadcast_in_dim3A_163, %select_n3A_140 : vector<256x10368xi1>, vector<256x10368xf32>
    %reduce_min3A_165 = arith.constant dense<0x7F800000> : vector<256xf32>
    %reduce_min3A_166 = vector.multi_reduction <minimumf>, %select_n3A_164, %reduce_min3A_165 [1] : vector<256x10368xf32> to vector<256xf32>
    %broadcast_in_dim3A_167 = vector.shape_cast %reduce_min3A_166 : vector<256xf32> to vector<256x1xf32>
    %eq3A_168 = vector.broadcast %broadcast_in_dim3A_167 : vector<256x1xf32> to vector<256x10368xf32>
    %eq3A_169 = arith.cmpf oeq, %select_n3A_164, %eq3A_168 : vector<256x10368xf32>
    %jit3A_170 = arith.constant 1073741824 : i32
    %broadcast_in_dim3A_171 = vector.broadcast %jit3A_170 : i32 to vector<256x10368xi32>
    %select_n3A_172 = arith.select %eq3A_169, %iota3A, %broadcast_in_dim3A_171 : vector<256x10368xi1>, vector<256x10368xi32>
    %reduce_min3A_173 = arith.constant dense<2147483647> : vector<256xi32>
    %reduce_min3A_174 = vector.multi_reduction <minsi>, %select_n3A_172, %reduce_min3A_173 [1] : vector<256x10368xi32> to vector<256xi32>
    %sub3A_175 = arith.subf %broadcast_in_dim3A_28, %broadcast_in_dim3A_167 : vector<256x1xf32>
    %exp3A_176 = math.exp %sub3A_175 : vector<256x1xf32>
    %add3A_177 = arith.addf %add3A_153, %exp3A_176 : vector<256x1xf32>
    %swap3A_178 = arith.constant 0 : index
    %swap3A_179 = arith.constant 6 : index
    %swap3A_180 = vector.load %arg4[%swap3A_178, %swap3A_179] : memref<256x8xi32, #tpu.memory_space<vmem>>, vector<256x1xi32>
    %swap3A_181 = vector.shape_cast %swap3A_180 : vector<256x1xi32> to vector<256xi32>
    %swap3A_182 = vector.shape_cast %reduce_min3A_174 : vector<256xi32> to vector<256x1xi32>
    tpu.vector_store %arg4[%swap3A_178, %swap3A_179], %swap3A_182 {strides = array<i32>} : memref<256x8xi32, #tpu.memory_space<vmem>>, vector<256x1xi32>,
    %broadcast_in_dim3A_183 = vector.shape_cast %reduce_min3A_174 : vector<256xi32> to vector<256x1xi32>
    %eq3A_184 = vector.broadcast %broadcast_in_dim3A_183 : vector<256x1xi32> to vector<256x10368xi32>
    %eq3A_185 = arith.cmpi eq, %iota3A, %eq3A_184 : vector<256x10368xi32>
    %jit3A_186 = arith.constant 3.000000e+38 : f32
    %broadcast_in_dim3A_187 = vector.broadcast %jit3A_186 : f32 to vector<256x10368xf32>
    %select_n3A_188 = arith.select %eq3A_185, %broadcast_in_dim3A_187, %select_n3A_164 : vector<256x10368xi1>, vector<256x10368xf32>
    %reduce_min3A_189 = arith.constant dense<0x7F800000> : vector<256xf32>
    %reduce_min3A_190 = vector.multi_reduction <minimumf>, %select_n3A_188, %reduce_min3A_189 [1] : vector<256x10368xf32> to vector<256xf32>
    %broadcast_in_dim3A_191 = vector.shape_cast %reduce_min3A_190 : vector<256xf32> to vector<256x1xf32>
    %eq3A_192 = vector.broadcast %broadcast_in_dim3A_191 : vector<256x1xf32> to vector<256x10368xf32>
    %eq3A_193 = arith.cmpf oeq, %select_n3A_188, %eq3A_192 : vector<256x10368xf32>
    %jit3A_194 = arith.constant 1073741824 : i32
    %broadcast_in_dim3A_195 = vector.broadcast %jit3A_194 : i32 to vector<256x10368xi32>
    %select_n3A_196 = arith.select %eq3A_193, %iota3A, %broadcast_in_dim3A_195 : vector<256x10368xi1>, vector<256x10368xi32>
    %reduce_min3A_197 = arith.constant dense<2147483647> : vector<256xi32>
    %reduce_min3A_198 = vector.multi_reduction <minsi>, %select_n3A_196, %reduce_min3A_197 [1] : vector<256x10368xi32> to vector<256xi32>
    %sub3A_199 = arith.subf %broadcast_in_dim3A_28, %broadcast_in_dim3A_191 : vector<256x1xf32>
    %exp3A_200 = math.exp %sub3A_199 : vector<256x1xf32>
    %add3A_201 = arith.addf %add3A_177, %exp3A_200 : vector<256x1xf32>
    %swap3A_202 = arith.constant 0 : index
    %swap3A_203 = arith.constant 7 : index
    %swap3A_204 = vector.load %arg4[%swap3A_202, %swap3A_203] : memref<256x8xi32, #tpu.memory_space<vmem>>, vector<256x1xi32>
    %swap3A_205 = vector.shape_cast %swap3A_204 : vector<256x1xi32> to vector<256xi32>
    %swap3A_206 = vector.shape_cast %reduce_min3A_198 : vector<256xi32> to vector<256x1xi32>
    tpu.vector_store %arg4[%swap3A_202, %swap3A_203], %swap3A_206 {strides = array<i32>} : memref<256x8xi32, #tpu.memory_space<vmem>>, vector<256x1xi32>,
    %div3A = arith.constant 1.000000e+00 : f32
    %div3A_207 = vector.broadcast %div3A : f32 to vector<256x1xf32>
    %div3A_208 = arith.divf %div3A_207, %add3A_201 : vector<256x1xf32>
    %concatenate3A = tpu.concatenate %exp3A, %exp3A_56, %exp3A_80, %exp3A_104, %exp3A_128, %exp3A_152, %exp3A_176, %exp3A_200 in 1 : vector<256x1xf32>, vector<256x1xf32>, vector<256x1xf32>, vector<256x1xf32>, vector<256x1xf32>, vector<256x1xf32>, vector<256x1xf32>, vector<256x1xf32> -> vector<256x8xf32>
    %mul3A_209 = vector.broadcast %div3A_208 : vector<256x1xf32> to vector<256x8xf32>
    %mul3A_210 = arith.mulf %concatenate3A, %mul3A_209 : vector<256x8xf32>
    %swap3A_211 = arith.constant 0 : index
    %swap3A_212 = arith.constant 0 : index
    %swap3A_213 = vector.load %arg5[%swap3A_211, %swap3A_212] : memref<256x8xf32, #tpu.memory_space<vmem>>, vector<256x8xf32>
    tpu.vector_store %arg5[%swap3A_211, %swap3A_212], %mul3A_210 {strides = array<i32>} : memref<256x8xf32, #tpu.memory_space<vmem>>, vector<256x8xf32>,
    return
  }
  func.func @transform_0(%arg0: i32) -> (i32, i32) {
    %c0_i32 = arith.constant 0 : i32
    %c0_i32_0 = arith.constant 0 : i32
    return %arg0, %c0_i32 : i32, i32
  }
  func.func @transform_1(%arg0: i32) -> (i32, i32) {
    %c0_i32 = arith.constant 0 : i32
    %c0_i32_0 = arith.constant 0 : i32
    %c0_i32_1 = arith.constant 0 : i32
    return %c0_i32, %c0_i32_0 : i32, i32
  }
  func.func @transform_2(%arg0: i32) -> (i32, i32) {
    %c0_i32 = arith.constant 0 : i32
    %c0_i32_0 = arith.constant 0 : i32
    %c0_i32_1 = arith.constant 0 : i32
    return %c0_i32, %c0_i32_0 : i32, i32
  }
  func.func @transform_3(%arg0: i32) -> (i32, i32) {
    %c0_i32 = arith.constant 0 : i32
    %c0_i32_0 = arith.constant 0 : i32
    return %arg0, %c0_i32 : i32, i32
  }
  func.func @transform_4(%arg0: i32) -> (i32, i32) {
    %c0_i32 = arith.constant 0 : i32
    %c0_i32_0 = arith.constant 0 : i32
    return %arg0, %c0_i32 : i32, i32
  }
}

module attributes {stable_mosaic.version = 14 : i64} {
  func.func @_proj_body(%arg0: i32, %arg1: memref<512x64xf32, #tpu.memory_space<vmem>>, %arg2: memref<64x64xf32, #tpu.memory_space<vmem>>, %arg3: memref<1x64xf32, #tpu.memory_space<vmem>>, %arg4: memref<512x64xf32, #tpu.memory_space<vmem>>) attributes {dimension_semantics = [#tpu.dimension_semantics<arbitrary>], iteration_bounds = array<i64: 64>, scalar_prefetch = 0 : i64, scratch_operands = 0 : i64, tpu.core_type = #tpu.core_type<tc>, window_params = [{transform_indices = @transform_0, window_bounds = array<i64: 512, 64>}, {pipeline_mode = #tpu.pipeline_mode<synchronous>, transform_indices = @transform_1, window_bounds = array<i64: 64, 64>}, {pipeline_mode = #tpu.pipeline_mode<synchronous>, transform_indices = @transform_2, window_bounds = array<i64: 1, 64>}, {transform_indices = @transform_3, window_bounds = array<i64: 512, 64>}]} {
    %get3A = arith.constant 0 : index
    %get3A_0 = arith.constant 0 : index
    %get3A_1 = vector.load %arg1[%get3A, %get3A_0] : memref<512x64xf32, #tpu.memory_space<vmem>>, vector<512x64xf32>
    %convert_element_type3A = arith.truncf %get3A_1 : vector<512x64xf32> to vector<512x64xbf16>
    %get3A_2 = arith.constant 0 : index
    %get3A_3 = arith.constant 0 : index
    %get3A_4 = vector.load %arg2[%get3A_2, %get3A_3] : memref<64x64xf32, #tpu.memory_space<vmem>>, vector<64x64xf32>
    %convert_element_type3A_5 = arith.truncf %get3A_4 : vector<64x64xf32> to vector<64x64xbf16>
    %dot_general3A = arith.constant dense<0.000000e+00> : vector<512x64xf32>
    %dot_general3A_6 = tpu.matmul %convert_element_type3A, %convert_element_type3A_5, %dot_general3A {dimension_numbers = #tpu.dot_dimension_numbers<[1], [0], [0], [1], [0, 0, 1, 1], [], []>, transpose_lhs_hint = false} : vector<512x64xbf16>, vector<64x64xbf16>, vector<512x64xf32> -> vector<512x64xf32>
    %get3A_7 = arith.constant 0 : index
    %get3A_8 = arith.constant 0 : index
    %get3A_9 = vector.load %arg3[%get3A_7, %get3A_8] : memref<1x64xf32, #tpu.memory_space<vmem>>, vector<1x64xf32>
    %add3A = vector.broadcast %get3A_9 : vector<1x64xf32> to vector<512x64xf32>
    %add3A_10 = arith.addf %dot_general3A_6, %add3A : vector<512x64xf32>
    %swap3A = arith.constant 0 : index
    %swap3A_11 = arith.constant 0 : index
    %swap3A_12 = vector.load %arg4[%swap3A, %swap3A_11] : memref<512x64xf32, #tpu.memory_space<vmem>>, vector<512x64xf32>
    tpu.vector_store %arg4[%swap3A, %swap3A_11], %add3A_10 {strides = array<i32>} : memref<512x64xf32, #tpu.memory_space<vmem>>, vector<512x64xf32>,
    return
  }
  func.func @transform_0(%arg0: i32) -> (i32, i32) {
    %c0_i32 = arith.constant 0 : i32
    %c0_i32_0 = arith.constant 0 : i32
    return %arg0, %c0_i32 : i32, i32
  }
  func.func @transform_1(%arg0: i32) -> (i32, i32) {
    %c0_i32 = arith.constant 0 : i32
    %c0_i32_0 = arith.constant 0 : i32
    %c0_i32_1 = arith.constant 0 : i32
    return %c0_i32, %c0_i32_0 : i32, i32
  }
  func.func @transform_2(%arg0: i32) -> (i32, i32) {
    %c0_i32 = arith.constant 0 : i32
    %c0_i32_0 = arith.constant 0 : i32
    %c0_i32_1 = arith.constant 0 : i32
    return %c0_i32, %c0_i32_0 : i32, i32
  }
  func.func @transform_3(%arg0: i32) -> (i32, i32) {
    %c0_i32 = arith.constant 0 : i32
    %c0_i32_0 = arith.constant 0 : i32
    return %arg0, %c0_i32 : i32, i32
  }
}

</mosaic_0001>

<sc_bundles>
// kernel: kernel.5.cloned.1.call-start
scs
__scs_entry_jumppad:
0x0: {  	(pc) =	sbr.rel $0x88, $3  }
0x1: {  	(tag) =	ssettag $0x0;
	lr =	simm.s32 $0x1  }
0x2: {  	[smem:$0x3F9B] =	sst lr;
	_ =	strace $0xD0000000  }
0x3: {  	_ = 	snop  }
0x4: {  	_ = 	snop  }
0x5: {  	_ = 	snop  }
0x6: {  	_ = 	snop  }
0x7: {  	_ = 	snop  }
__scs_overlays_trampoline_lowered:
0x8: {  	[smem:$0x3FAA] =	sst s0  }
0x9: {  	[smem:$0x3FAB] =	sst s1  }
0xa: {  	[smem:$0x3FAC] =	sst s2  }
0xb: {  	[smem:$0x3FAD] =	sst s3  }
0xc: {  	[smem:$0x3FAE] =	sst s4  }
0xd: {  	[smem:$0x3FAF] =	sst s5  }
0xe: {  	[smem:$0x3FB0] =	sst s6  }
0xf: {  	[smem:$0x3FB1] =	sst s7  }
0x10: {  	[smem:$0x3FB2] =	sst s8  }
0x11: {  	[smem:$0x3FB3] =	sst s9;
	s0 =	simm.s32 @!p0 $0x0  }
0x12: {  	s1 =	sld [smem:$0x3F99];
	s0 =	simm.s32 @p0 $0x1  }
0x13: {  	[smem:$0x3FB4] =	sst s0;
	s0 =	simm.s32 @!p1 $0x0  }
0x14: {  	s2 =	sld [smem:$0x3F98];
	s0 =	simm.s32 @p1 $0x1  }
0x15: {  	[smem:$0x3FB5] =	sst s0;
	s0 =	simm.s32 @!p2 $0x0  }
0x16: {  	s3 =	sld [smem:$0x3FDB];
	s0 =	simm.s32 @p2 $0x1  }
0x17: {  	s4 =	simm.s32 $0x1BF5;
	[smem:$0x3FB7] =	sst s0  }
0x18: {  	s0 =	sld [smem:$0x3F9A];
	_ =	swait.ge [sflag:s4], $0x0  }
0x19: {  	s7 =	sld [smem:$0x3F9B]  }
0x1a: {  	s8 =	sadd.s32 $0xFFFFE003, lr  }
0x1b: {  	s9 =	sadd.s32 $0xFFFFFEF7, lr;
	s5 =	simm.s32 $0xFFFFFFFF;
	p2 =	slt.u32 s8, $0xFFFFF086  }
0x1c: {  	p1 =	slt.u32 s9, $0xF7A;
	s5 =	simm.s32 @!p2 $0x0  }
0x1d: {  	s5 =	simm.s32 @p1 $0x1;
	p0 =	seq.s32 s7, s2  }
0x1e: {  	s7 =	smul.u32 @!p0 $0xF7A, s2;
	p2 =	seq.s32 @!p0 s5, $0x0  }
0x1f: {  	s9 =	smul.u32 $0xF7A, s1;
	s8 =	simm.s32 @!p0 $0x1BF5;
	p2 =	por !p2, p0  }
0x20: {  	[sflag:s8] =	ssyncset.s32 @!p0 $0xFFFFF086;
	s6 =	sadd.s32 @!p0 s3, s7;
	s7 =	simm.s32 @!p0 $0x108  }
0x21: {  	s3 =	sadd.s32 s3, s9;
	s6 =	sadd.s32 @!p0 $0x88, s6;
	s7 =	simm.s32 @p2 $0x1082  }
0x22: {  	[simem:s7], [sflag:s8] =	dma.local @!p0 [hbm:s6], $0xF7A  }
0x23: {  	s9 =	sor.u32 $0xD0000000, s2;
	s6 =	simm.s32 $0x108;
	_ =	swait.ge @!p0 [sflag:s8], $0x0  }
0x24: {  	s3 =	sadd.s32 $0x88, s3;
	s6 =	simm.s32 @!p1 $0x1082;
	[sflag:s4] =	ssyncset.s32 $0xFFFFF086  }
0x25: {  	[simem:s6], [sflag:s4] =	dma.local [hbm:s3], $0xF7A  }
0x26: {  	[smem:$0x3F9B] =	sst s1;
	(tag) =	ssettag s2;
	_ =	strace s9  }
0x27: {  	s1 =	sld [smem:$0x3FAB]  }
0x28: {  	s2 =	sld [smem:$0x3FAC]  }
0x29: {  	s4 =	sld [smem:$0x3FAE]  }
0x2a: {  	p0 =	seq.s32 s5, $0x0;
	s5 =	sld [smem:$0x3FAF]  }
0x2b: {  	s6 =	sld [smem:$0x3FB0]  }
0x2c: {  	s7 =	sld [smem:$0x3FB1]  }
0x2d: {  	s3 =	simm.s32 $0x108;
	s8 =	sld [smem:$0x3FB2]  }
0x2e: {  	s3 =	simm.s32 @!p0 $0x1082;
	s9 =	sld [smem:$0x3FB3]  }
0x2f: {  	lr =	sadd.s32 s0, s3;
	s0 =	sld [smem:$0x3FAA]  }
0x30: {  	s3 =	sld [smem:$0x3FAD]  }
0x31: {  	[smem:$0x3FB6] =	sst s10  }
0x32: {  	s10 =	sld [smem:$0x3FB4];
	_ =	sdelay $0x3  }
0x33: {  	p0 =	seq.s32 s10, $0x1;
	s10 =	sld [smem:$0x3FB6];
	_ =	sdelay $0x3  }
0x34: {  	[smem:$0x3FB6] =	sst s10  }
0x35: {  	s10 =	sld [smem:$0x3FB5];
	_ =	sdelay $0x3  }
0x36: {  	p1 =	seq.s32 s10, $0x1;
	s10 =	sld [smem:$0x3FB6];
	_ =	sdelay $0x3  }
0x37: {  	[smem:$0x3FB6] =	sst s10  }
0x38: {  	s10 =	sld [smem:$0x3FB7]  }
0x39: {  	_ = 	snop;
	(pc) =	sbr.ind lr, $3  }
0x3a: {  	_ = 	snop  }
0x3b: {  	_ = 	snop  }
0x3c: {  	p2 =	seq.s32 s10, $0x1;
	s10 =	sld [smem:$0x3FB6]  }
0x3d: {  	_ =	shalt  }
0x3e: {  	_ =	shalt  }
0x3f: {  	_ =	shalt  }
0x40: {  	_ =	shalt  }
0x41: {  	_ =	shalt  }
0x42: {  	_ =	shalt  }
0x43: {  	_ =	shalt  }
0x44: {  	_ =	shalt  }
0x45: {  	_ =	shalt  }
0x46: {  	_ =	shalt  }
0x47: {  	_ =	shalt  }
0x48: {  	_ =	shalt  }
0x49: {  	_ =	shalt  }
0x4a: {  	_ =	shalt  }
0x4b: {  	_ =	shalt  }
0x4c: {  	_ =	shalt  }
0x4d: {  	_ =	shalt  }
0x4e: {  	_ =	shalt  }
0x4f: {  	_ =	shalt  }
0x50: {  	_ =	shalt  }
0x51: {  	_ =	shalt  }
0x52: {  	_ =	shalt  }
0x53: {  	_ =	shalt  }
0x54: {  	_ =	shalt  }
0x55: {  	_ =	shalt  }
0x56: {  	_ =	shalt  }
0x57: {  	_ =	shalt  }
0x58: {  	_ =	shalt  }
0x59: {  	_ =	shalt  }
0x5a: {  	_ =	shalt  }
0x5b: {  	_ =	shalt  }
0x5c: {  	_ =	shalt  }
0x5d: {  	_ =	shalt  }
0x5e: {  	_ =	shalt  }
0x5f: {  	_ =	shalt  }
0x60: {  	_ =	shalt  }
0x61: {  	_ =	shalt  }
0x62: {  	_ =	shalt  }
0x63: {  	_ =	shalt  }
0x64: {  	_ =	shalt  }
0x65: {  	_ =	shalt  }
0x66: {  	_ =	shalt  }
0x67: {  	_ =	shalt  }
0x68: {  	_ =	shalt  }
0x69: {  	_ =	shalt  }
0x6a: {  	_ =	shalt  }
0x6b: {  	_ =	shalt  }
0x6c: {  	_ =	shalt  }
0x6d: {  	_ =	shalt  }
0x6e: {  	_ =	shalt  }
0x6f: {  	_ =	shalt  }
0x70: {  	_ =	shalt  }
0x71: {  	_ =	shalt  }
0x72: {  	_ =	shalt  }
0x73: {  	_ =	shalt  }
0x74: {  	_ =	shalt  }
0x75: {  	_ =	shalt  }
0x76: {  	_ =	shalt  }
0x77: {  	_ =	shalt  }
0x78: {  	_ =	shalt  }
0x79: {  	_ =	shalt  }
0x7a: {  	_ =	shalt  }
0x7b: {  	_ =	shalt  }
0x7c: {  	_ =	shalt  }
0x7d: {  	_ =	shalt  }
0x7e: {  	_ =	shalt  }
0x7f: {  	_ =	shalt  }
0x80: {  	_ =	shalt  }
0x81: {  	_ =	shalt  }
0x82: {  	_ =	shalt  }
0x83: {  	_ =	shalt  }
0x84: {  	_ =	shalt  }
0x85: {  	_ =	shalt  }
0x86: {  	_ =	shalt  }
0x87: {  	_ =	shalt  }
.Lfunc_end0:
.L_simem_size_0:
called_computation_lowered:
.L_overlay_start_0:
0x88: {  	s2 =	sld [smem:$0x3FD9]  }
0x89: {  	s3 =	sld [smem:$0x3FFE];
	_ =	sdelay $0x1  }
0x8a: {  	s1 =	srdreg.scid  }
0x8b: {  	s0 =	sand.u32 $0x1, s1  }
0x8c: {  	s17 =	sshll.u32 s0, $0xA;
	s2 =	sadd.s32 s3, s2  }
0x8d: {  	s2 =	sadd.s32 s2, s17  }
0x8e: {  	[smem:$0x3FC2] =	sst s2  }
0x8f: {  	_ = 	snop  }
0x90: {  	s2 =	sld [smem:$0x3FD0];
	(tm) =	ssettm $0x1  }
0x91: {  	s18 =	sld [smem:$0x3FFB];
	_ =	sdelay $0x3  }
0x92: {  	_ =	strace s18  }
0x93: {  	s3 =	sld [smem:$0x3FFC];
	_ =	sdelay $0x3  }
0x94: {  	_ =	strace s3  }
0x95: {  	s3 =	sld [smem:$0x3FFD];
	_ =	sdelay $0x3  }
0x96: {  	_ =	strace s3  }
0x97: {  	_ =	strace $0x8FFFFFFF  }
0x98: {  	s19 =	sld [smem:$0x3FDB];
	_ =	sdelay $0x1  }
0x99: {  	s4 =	simm.s32 $_scs_section_size  }
0x9a: {  	s5 =	simm.s32 $_size__tile_overlayer_lowered;
	s6 =	simm.s32 $_tile_overlayer_lowered  }
0x9b: {  	s22 =	simm.s32 $0x1BFF;
	s21 =	sshll.u32 s6, $0x1;
	s3 =	sadd.s32 s4, s19  }
0x9c: {  	s7 =	simm.s32 $0x0;
	s20 =	sshll.u32 s5, $0x1;
	s5 =	sadd.s32 s21, s3  }
0x9d: {  	[timem:s7], [sflag:s22] =	dma.local [hbm:s5], s20  }
0x9e: {  	_ =	swait.ge [sflag:s22], s20  }
0x9f: {  	s4 =	ssub.s32 $0x0, s20;
	[sflag:s22] =	ssyncset.done $0x0  }
0xa0: {  	[sflag:s22] =	ssyncadd.s32 s4;
	_ =	sdelay $0x1  }
0xa1: {  	s23 =	simm.s32 $0x1B8B  }
0xa2: {  	_ =	swait.ge [sflag:s23], $0x1  }
0xa3: {  	[sflag:s23] =	ssyncset.done $0x0  }
0xa4: {  	s25 =	simm.s32 $0x1B8E;
	s24 =	sld [smem:$0x3FFE];
	[sflag:s23] =	ssyncadd.s32 $0xFFFFFFFF  }
0xa5: {  	s26 =	simm.s32 $execute0_lowered;
	[smem:$0x3FD2] =	sst s25  }
0xa6: {  	s5 =	sshll.u32 s26, $0x1;
	_ =	strace $0x80000046;
	[dreg:$0x1] =	wrdreg $0xFFFFFFFF  }
0xa7: {  	s28 =	simm.s32 $_size_execute0_lowered;
	s3 =	sadd.s32 s3, s5;
	[dreg:$0x0] =	wrdreg $0x0  }
0xa8: {  	s5 =	sshll.u32 s28, $0x1;
	[dreg:$0x2] =	wrdreg s3  }
0xa9: {  	[dreg:$0x3] =	wrdreg s5  }
0xaa: {  	[dreg:$0x4] =	wrdreg $0xC0  }
0xab: {  	_ =	task [dreg:s7], $0x5FFFF  }
0xac: {  	[dreg:$0x1] =	wrdreg $0xFFFFFFFF  }
0xad: {  	[dreg:$0x0] =	wrdreg $0x60  }
0xae: {  	[dreg:$0x2] =	wrdreg s2  }
0xaf: {  	[dreg:$0x3] =	wrdreg s24  }
0xb0: {  	[dreg:$0x4] =	wrdreg $0x9  }
0xb1: {  	_ =	task.clear_ibuf [dreg:s7], $0x5FFFF;
	_ =	strace $0x90000046  }
0xb2: {  	s29 =	simm.s32 $0x9;
	_ =	strace $0x80000048  }
0xb3: {  	_ =	swait.ge [sflag:s29], $0x1  }
0xb4: {  	[sflag:s29] =	ssyncadd.s32 $0xFFFFFFFF  }
0xb5: {  	_ =	strace $0x90000048  }
0xb6: {  	_ =	sfence  }
0xb7: {  	s30 =	sld [smem:$0x0];
	_ =	sdelay $0x2  }
0xb8: {  	s31 =	sshll.u32 s1, $0xD;
	s1 =	sshrl.u32 s1, $0x2  }
0xb9: {  	s3 =	sand.u32 $0x4000, s31;
	s1 =	sadd.s32 s1, s30  }
0xba: {  	s0 =	sor.u32 s3, s0;
	s1 =	sshll.u32 s1, $0x11  }
0xbb: {  	s0 =	sor.u32 s1, s0  }
0xbc: {  	s0 =	sadd.s32 $0x8F2B, s0  }
0xbd: {  	[sflag:s0] =	ssyncadd.remote.s32 $0x1  }
0xbe: {  	_ =	sfence.sel $0xFFFF  }
0xbf: {  	[dreg:$0x0] =	wrdreg $0xFFFFFFFF;
	(pc) =	sbr.abs _section_cstart, $3  }
0xc0: {  	[dreg:$0x1] =	wrdreg $0xFFFFFFFF  }
0xc1: {  	_ =	task.clear_ibuf [dreg:s7], $0x2FFFF;
	_ =	strace $0x9FFFFFFF  }
0xc2: {  	(tm) =	ssettm $0x7FFFFFFF  }
0xc3: {  	_ =	shalt  }
tec
execute0_lowered:
.L_overlay_start_1:
0x0: {  	(tag) =	ssettag $0x1  }
0x1: {  	s1 =	rddreg [dreg:$0x0]  }
0x2: {  	s6 =	rddreg [dreg:$0x1]  }
0x3: {  	s0 =	rddreg [dreg:$0x2];
	s2 =	simm.s32 $0x0  }
0x4: {  	s3 =	srdreg.scid;
	s10 =	simm.s32 $0x80;
	s11 =	simm.s32 $0x4080  }
0x5: {  	s12 =	simm.s32 $0x1;
	s13 =	simm.s32 $0x8080;
	s14 =	simm.s32 $0x0  }
0x6: {  	[smem:$0x7FF] =	sst s2;
	s7 =	sand.u32 $0x1, s3;
	s4 =	sadd.s32 $0x81400, s6  }
0x7: {  	s5 =	sadd.s32 $0x89400, s6;
	s3 =	stileid.u32;
	s8 =	ssub.s32 $0x2, s7  }
0x8: {  	s6 =	sadd.s32 $0x1400, s6;
	_ =	strace $0x80000047;
	s9 =	sshrl.u32 s8, $0x1  }
0x9: {  	s31 =	sshll.u32 s3, $0xB;
	s7 =	sshll.u32 s7, $0xA;
	s8 =	ssub.s32 s8, s9  }
0xa: {  	s7 =	sor.u32 s7, s31;
	s9 =	simm.s32 $0x2;
	s8 =	smax.u32 s8, $0x1  }
.LBB2_1:
0xb: {  	s15 =	simm.s32 $0x0  }
.LBB2_2:
0xc: {  	s16 =	sshll.u32 s15, $0x4  }
0xd: {  	s16 =	sadd.s32 s7, s16  }
0xe: {  	s18 =	simm.s32 $0x0;
	s17 =	sadd.s32 s4, s16  }
0xf: {  	[tilespmem:s18], [sflag:$0x2] =	stream.linear.gather [hbm4b:s17+s18], $0x80, $0x38;
	[tilespmem:$0x8880] =	vst v63  }
0x10: {  	_ =	swait.ge [sflag:s9], $0x80  }
0x11: {  	[sflag:s9] =	ssyncset.done $0x0  }
0x12: {  	s31 =	sshll.u32 s16, $0x7;
	[sflag:s9] =	ssyncadd.s32 $0xFFFFFF80  }
0x13: {  	[tilespmem:s10], [sflag:$0x1] =	stream.indirect.gather [hbm4b:s1+s10], $0x80, s18, s10, $0xb8;
	[tilespmem:$0x8880] =	vst v63  }
0x14: {  	s17 =	sadd.s32 s5, s31  }
0x15: {  	[tilespmem:s11], [sflag:$0x2] =	stream.linear.gather [hbm4b:s17+s18], $0x4000, $0x38;
	[tilespmem:$0x8880] =	vst v63  }
0x16: {  	_ =	swait.ge [sflag:s9], $0x4000  }
0x17: {  	[sflag:s9] =	ssyncset.done $0x0  }
0x18: {  	[sflag:s9] =	ssyncadd.s32 $0xFFFFC000  }
0x19: {  	_ =	swait.ge [sflag:s12], $0x4000  }
0x1a: {  	[sflag:s12] =	ssyncset.done $0x0  }
0x1b: {  	s18 =	simm.s32 $0x0;
	[sflag:s12] =	ssyncadd.s32 $0xFFFFC000  }
0x1c: {  	v6 =	vld [tilespmem:s18+$0xA0]  }
0x1d: {  	v1 =	vld [tilespmem:s18+$0x3A0]  }
0x1e: {  	v2 =	vld [tilespmem:s18+$0x330]  }
0x1f: {  	v5 =	vld [tilespmem:s18+$0x390]  }
0x20: {  	v0 =	vld [tilespmem:s18+$0x4380]  }
0x21: {  	v3 =	vld [tilespmem:s18+$0x4300]  }
0x22: {  	v7 =	vld [tilespmem:s18+$0x320]  }
0x23: {  	v8 =	vld [tilespmem:s18+$0x300]  }
0x24: {  	v9 =	vld [tilespmem:s18+$0x310]  }
0x25: {  	v10 =	vld [tilespmem:s18+$0x2B0]  }
0x26: {  	v11 =	vld [tilespmem:s18+$0x230]  }
0x27: {  	v12 =	vld [tilespmem:s18+$0x210]  }
0x28: {  	v13 =	vld [tilespmem:s18+$0x220]  }
0x29: {  	s19 =	simm.s32 $0x80A0;
	s20 =	simm.s32 $0x1000;
	s17 =	simm.s32 $0x80A0;
	v4 =	vld [tilespmem:s18+$0x4200]  }
.LBB2_3:
0x2a: {  	p0 =	sne.s32 s20, $0xF000  }
0x2b: {  	v14 =	vld [tilespmem:s18+$0x290];
	s19 =	sadd.s32 $0x80, s19;
	s21 =	smov.u32 s20;
	s20 =	sadd.s32 $0x1000, s20  }
0x2c: {  	v15 =	vld [tilespmem:s18+$0x4280]  }
0x2d: {  	v16 =	vld [tilespmem:s18+$0x180]  }
0x2e: {  	v17 =	vld [tilespmem:s18+$0x120]  }
0x2f: {  	v18 =	vld [tilespmem:s18+$0x190];
	v12 =	vmul.f32 v12, v4;
	v13 =	vmul.f32 v13, v4  }
0x30: {  	v11 =	vmul.f32 v11, v4;
	v19 =	vld [tilespmem:s18+$0x4180]  }
0x31: {  	v20 =	vld [tilespmem:s18+$0x1B0];
	v14 =	vmul.f32 v14, v15;
	v10 =	vmul.f32 v10, v15  }
0x32: {  	v21 =	vld [tilespmem:s18+$0x100]  }
0x33: {  	v22 =	vld [tilespmem:s18+$0x80]  }
0x34: {  	v23 =	vld [tilespmem:s18+$0x4100]  }
0x35: {  	v24 =	vld [tilespmem:s18+$0x4080];
	v16 =	vmul.f32 v16, v19;
	v18 =	vmul.f32 v18, v19  }
0x36: {  	v9 =	vmul.f32 v9, v3;
	v25 =	vld [tilespmem:s18+$0xB0];
	v20 =	vmul.f32 v20, v19  }
0x37: {  	v8 =	vmul.f32 v8, v3;
	v26 =	vld [tilespmem:s18+$0x90]  }
0x38: {  	v7 =	vmul.f32 v7, v3;
	v27 =	vld [tilespmem:s18+$0x110]  }
0x39: {  	v5 =	vmul.f32 v5, v0;
	v17 =	vmul.f32 v17, v23;
	v28 =	vld [tilespmem:s18+$0x380]  }
0x3a: {  	v2 =	vmul.f32 v2, v3;
	v6 =	vmul.f32 v6, v24;
	v29 =	vld [tilespmem:s18+$0x1A0]  }
0x3b: {  	v1 =	vmul.f32 v1, v0;
	v3 =	vmul.f32 v22, v24;
	v22 =	vld [tilespmem:s18+$0x130]  }
0x3c: {  	v21 =	vmul.f32 v21, v23;
	v26 =	vmul.f32 v26, v24;
	v6 =	vadd.f32 $0.0e+00, v6;
	v30 =	vld [tilespmem:s18+$0x200]  }
0x3d: {  	v3 =	vadd.f32 $0.0e+00, v3;
	v24 =	vmul.f32 v25, v24;
	v25 =	vmul.f32 v27, v23;
	v27 =	vld [tilespmem:s18+$0x3B0]  }
0x3e: {  	v26 =	vadd.f32 $0.0e+00, v26;
	v6 =	vadd.f32 v17, v6;
	v17 =	vld [tilespmem:s18+$0x2A0];
	v28 =	vmul.f32 v28, v0  }
0x3f: {  	v24 =	vadd.f32 $0.0e+00, v24;
	v3 =	vadd.f32 v21, v3;
	v19 =	vmul.f32 v29, v19;
	v21 =	vld [tilespmem:s18+$0x280]  }
0x40: {  	v25 =	vadd.f32 v25, v26;
	v22 =	vmul.f32 v22, v23  }
0x41: {  	v3 =	vadd.f32 v16, v3;
	v6 =	vadd.f32 v19, v6;
	v4 =	vmul.f32 v30, v4  }
0x42: {  	v16 =	vadd.f32 v22, v24;
	v18 =	vadd.f32 v18, v25;
	v0 =	vmul.f32 v27, v0  }
0x43: {  	v3 =	vadd.f32 v4, v3;
	v4 =	vadd.f32 v13, v6;
	v6 =	vmul.f32 v17, v15;
	v13 =	vld [tilespmem:s18+$0x420]  }
0x44: {  	v16 =	vadd.f32 v20, v16;
	v12 =	vadd.f32 v12, v18;
	v15 =	vmul.f32 v21, v15;
	v17 =	vld [tilespmem:s18+$0x4400]  }
0x45: {  	v4 =	vadd.f32 v6, v4;
	v6 =	vld [tilespmem:s18+$0x400]  }
0x46: {  	v11 =	vadd.f32 v11, v16;
	v3 =	vadd.f32 v15, v3;
	v15 =	vld [tilespmem:s18+$0x410]  }
0x47: {  	v12 =	vadd.f32 v14, v12;
	v4 =	vadd.f32 v7, v4;
	v7 =	vld [tilespmem:s18+$0x430];
	s18 =	sshra.s32 s21, $0x2  }
0x48: {  	v10 =	vadd.f32 v10, v11;
	v3 =	vadd.f32 v8, v3  }
0x49: {  	v8 =	vadd.f32 v9, v12;
	v1 =	vadd.f32 v1, v4;
	v4 =	vmul.f32 v13, v17  }
0x4a: {  	v2 =	vadd.f32 v2, v10;
	v3 =	vadd.f32 v28, v3;
	v6 =	vmul.f32 v6, v17  }
0x4b: {  	v5 =	vadd.f32 v5, v8;
	v8 =	vmul.f32 v15, v17;
	v1 =	vadd.f32 v4, v1  }
0x4c: {  	v0 =	vadd.f32 v0, v2;
	v2 =	vadd.f32 v6, v3;
	v3 =	vmul.f32 v7, v17  }
0x4d: {  	v4 =	vadd.f32 v8, v5;
	[tilespmem:s17+$0x0] =	vst v1  }
0x4e: {  	v0 =	vadd.f32 v3, v0;
	[tilespmem:s17+$0xFFFFFFE0] =	vst v2  }
0x4f: {  	[tilespmem:s17+$0xFFFFFFF0] =	vst v4  }
0x50: {  	[tilespmem:s17+$0x10] =	vst v0;
	s17 =	smov.u32 s19  }
0x51: {  	v6 =	vld [tilespmem:s18+$0xA0]  }
0x52: {  	v1 =	vld [tilespmem:s18+$0x3A0]  }
0x53: {  	v2 =	vld [tilespmem:s18+$0x330]  }
0x54: {  	v5 =	vld [tilespmem:s18+$0x390]  }
0x55: {  	v0 =	vld [tilespmem:s18+$0x4380]  }
0x56: {  	v3 =	vld [tilespmem:s18+$0x4300]  }
0x57: {  	v7 =	vld [tilespmem:s18+$0x320]  }
0x58: {  	v8 =	vld [tilespmem:s18+$0x300]  }
0x59: {  	v9 =	vld [tilespmem:s18+$0x310]  }
.Ltmp0:
0x5a: {  	v10 =	vld [tilespmem:s18+$0x2B0];
	(pc) =	sbr.rel @p0 .LBB2_3-.Ltmp0, $4  }
0x5b: {  	v11 =	vld [tilespmem:s18+$0x230]  }
0x5c: {  	v12 =	vld [tilespmem:s18+$0x210]  }
0x5d: {  	v13 =	vld [tilespmem:s18+$0x220]  }
0x5e: {  	v4 =	vld [tilespmem:s18+$0x4200]  }
0x5f: {  	v14 =	vld [tilespmem:s18+$0x290]  }
0x60: {  	v15 =	vld [tilespmem:s18+$0x4280]  }
0x61: {  	v16 =	vld [tilespmem:s18+$0x180]  }
0x62: {  	v17 =	vld [tilespmem:s18+$0x120]  }
0x63: {  	v18 =	vld [tilespmem:s18+$0x190]  }
0x64: {  	v19 =	vld [tilespmem:s18+$0x4180]  }
0x65: {  	v21 =	vld [tilespmem:s18+$0x100]  }
0x66: {  	v22 =	vld [tilespmem:s18+$0x80]  }
0x67: {  	v23 =	vld [tilespmem:s18+$0x4100]  }
0x68: {  	v24 =	vld [tilespmem:s18+$0x4080];
	v9 =	vmul.f32 v9, v3;
	v8 =	vmul.f32 v8, v3  }
0x69: {  	v25 =	vld [tilespmem:s18+$0xB0];
	v7 =	vmul.f32 v7, v3;
	v5 =	vmul.f32 v5, v0  }
0x6a: {  	v26 =	vld [tilespmem:s18+$0x90];
	v12 =	vmul.f32 v12, v4;
	v13 =	vmul.f32 v13, v4  }
0x6b: {  	v27 =	vld [tilespmem:s18+$0x110];
	v11 =	vmul.f32 v11, v4;
	v14 =	vmul.f32 v14, v15  }
0x6c: {  	v28 =	vld [tilespmem:s18+$0x1A0];
	v10 =	vmul.f32 v10, v15;
	v16 =	vmul.f32 v16, v19  }
0x6d: {  	v29 =	vld [tilespmem:s18+$0x130];
	v18 =	vmul.f32 v18, v19;
	v6 =	vmul.f32 v6, v24  }
0x6e: {  	v20 =	vld [tilespmem:s18+$0x1B0];
	v17 =	vmul.f32 v17, v23;
	v22 =	vmul.f32 v22, v24  }
0x6f: {  	v30 =	vld [tilespmem:s18+$0x200];
	v26 =	vmul.f32 v26, v24;
	v21 =	vmul.f32 v21, v23;
	v6 =	vadd.f32 $0.0e+00, v6  }
0x70: {  	v41 =	vld [tilespmem:s18+$0x2A0];
	v24 =	vmul.f32 v25, v24;
	v40 =	vmul.f32 v27, v23;
	v22 =	vadd.f32 $0.0e+00, v22  }
0x71: {  	v43 =	vld [tilespmem:s18+$0x280];
	v42 =	vmul.f32 v28, v19;
	v26 =	vadd.f32 $0.0e+00, v26;
	v6 =	vadd.f32 v17, v6  }
0x72: {  	v44 =	vmul.f32 v29, v23;
	v24 =	vadd.f32 $0.0e+00, v24;
	v21 =	vadd.f32 v21, v22  }
0x73: {  	v45 =	vld [tilespmem:s18+$0x380];
	v20 =	vmul.f32 v20, v19;
	v25 =	vadd.f32 v40, v26;
	v6 =	vadd.f32 v42, v6  }
0x74: {  	v46 =	vld [tilespmem:s18+$0x3B0];
	v47 =	vmul.f32 v30, v4;
	v48 =	vadd.f32 v44, v24;
	v16 =	vadd.f32 v16, v21  }
0x75: {  	v50 =	vld [tilespmem:s18+$0x420];
	v49 =	vmul.f32 v41, v15;
	v18 =	vadd.f32 v18, v25;
	v6 =	vadd.f32 v13, v6  }
0x76: {  	v52 =	vld [tilespmem:s18+$0x4400];
	v15 =	vmul.f32 v43, v15;
	v51 =	vadd.f32 v20, v48;
	v4 =	vadd.f32 v47, v16  }
0x77: {  	v2 =	vmul.f32 v2, v3;
	v54 =	vld [tilespmem:s18+$0x400];
	v53 =	vadd.f32 v12, v18;
	v6 =	vadd.f32 v49, v6  }
0x78: {  	v1 =	vmul.f32 v1, v0;
	v55 =	vld [tilespmem:s18+$0x410];
	v11 =	vadd.f32 v11, v51;
	v4 =	vadd.f32 v15, v4  }
0x79: {  	v57 =	vld [tilespmem:s18+$0x430];
	v56 =	vmul.f32 v45, v0;
	v3 =	vadd.f32 v14, v53;
	v6 =	vadd.f32 v7, v6  }
0x7a: {  	v58 =	vmul.f32 v46, v0;
	v10 =	vadd.f32 v10, v11;
	v4 =	vadd.f32 v8, v4  }
0x7b: {  	v59 =	vmul.f32 v50, v52;
	v3 =	vadd.f32 v9, v3;
	v1 =	vadd.f32 v1, v6  }
0x7c: {  	v60 =	vmul.f32 v54, v52;
	v2 =	vadd.f32 v2, v10;
	v4 =	vadd.f32 v56, v4  }
0x7d: {  	v61 =	vmul.f32 v55, v52;
	v3 =	vadd.f32 v5, v3;
	v1 =	vadd.f32 v59, v1  }
0x7e: {  	v63 =	vmul.f32 v57, v52;
	v0 =	vadd.f32 v58, v2;
	v62 =	vadd.f32 v60, v4  }
0x7f: {  	v3 =	vadd.f32 v61, v3;
	[tilespmem:s17+$0x0] =	vst v1  }
0x80: {  	s15 =	sadd.s32 $0x1, s15;
	v0 =	vadd.f32 v63, v0;
	[tilespmem:s17+$0xFFFFFFE0] =	vst v62  }
0x81: {  	s16 =	sshll.u32 s16, $0x4;
	p0 =	sne.s32 s15, $0x40;
	[tilespmem:s17+$0xFFFFFFF0] =	vst v3  }
.Ltmp1:
0x82: {  	s16 =	sadd.s32 s6, s16;
	[tilespmem:s17+$0x10] =	vst v0;
	(pc) =	sbr.rel @p0 .LBB2_2-.Ltmp1, $4  }
0x83: {  	[hbm4b:s16+s2] =	stream.linear.scatter [tilespmem:s13], [sflag:$0x2], $0x800, $0x38;
	[tilespmem:$0x8880] =	vst v63  }
0x84: {  	_ =	swait.ge [sflag:s9], $0x800  }
0x85: {  	[sflag:s9] =	ssyncset.done $0x0  }
0x86: {  	[sflag:s9] =	ssyncadd.s32 $0xFFFFF800  }
0x87: {  	s14 =	sadd.s32 $0x1, s14  }
0x88: {  	p0 =	sne.s32 s14, s8  }
.Ltmp2:
0x89: {  	_ = 	snop;
	(pc) =	sbr.rel @p0 .LBB2_1-.Ltmp2, $1  }
0x8a: {  	_ =	sdelay $0x3  }
0x8b: {  	_ =	sfence.sel $0x180000  }
0x8c: {  	[bflag:$0x0] =	sbarrier.arrive $0xFFFF  }
0x8d: {  	p0 =	sne.s32 s3, $0x0;
	_ =	strace $0x90000047  }
0x8e: {  	s0 =	sadd.s32 @!p0 $0x100000, s0;
	[bflag:$0x2] =	sbarrier.arrive $0xFFFF  }
0x8f: {  	[sflag:s0] =	ssyncadd.tile.s32 @!p0 $0x1;
	_ =	shalt  }
.Lfunc_end2:
_tile_overlayer_lowered:
.L_overlay_start_2:
0x90: {  	(tag) =	ssettag $0x2  }
0x91: {  	s0 =	rddreg [dreg:$0x0];
	s2 =	stileid.u32  }
0x92: {  	s1 =	rddreg [dreg:$0x1];
	p0 =	sne.s32 s2, $0x0  }
0x93: {  	s3 =	rddreg [dreg:$0x2];
	[bflag:$0x3] =	sbarrier.arrive $0xFFFF;
	s2 =	simm.s32 @!p0 $0x1C02  }
0x94: {  	[timem:s3], [sflag:s2] =	dma.local @!p0 [hbm:s0], s1  }
0x95: {  	s0 =	simm.s32 @!p0 $0x2  }
0x96: {  	_ =	swait.ge @!p0 [sflag:s0], s1  }
0x97: {  	s1 =	ssub.s32 @!p0 $0x0, s1;
	[sflag:s0] =	ssyncset.done @!p0 $0x0  }
0x98: {  	[sflag:s0] =	ssyncadd.s32 @!p0 s1  }
0x99: {  	[bflag:$0x3] =	sbarrier.arrive $0xFFFF  }
0x9a: {  	_ =	shalt  }

</sc_bundles>
